<compile_context>
chip_gen: v7x
topology: tpu7x:2x2x1
jax: 0.10.2.dev20260603
libtpu: 0.0.44.dev20260713+nightly
codegen_flags: <defaults>
</compile_context>

<pallas_src>
import jax
import jax.numpy as jnp
from jax import lax
from jax.experimental import pallas as pl
from jax.experimental.pallas import tpu as pltpu
from jax.experimental.pallas import tpu_sc as plsc

_KGE_DIM = 128
_DM = 768
_B = 16384

_info = plsc.get_sparse_core_info()
_NC, _NS = _info.num_cores, _info.num_subcores
_NW = _NC * _NS
_NSLICE = 2
_BC = _B // _NSLICE
_ROWS_PER_W = _BC // _NW
_CHUNK = 128
_NCHUNK = _ROWS_PER_W // _CHUNK
_NJOBS = 3 * _NCHUNK


_NBUF = 6


def _sc_gather_body(idx_hbm, ent_hbm, rel_hbm, out_hbm,
                    idx_v, rows_v, gsems, wsems):
    wid = lax.axis_index("s") * _NC + lax.axis_index("c")
    base = wid * _ROWS_PER_W
    for f in range(3):
        pltpu.sync_copy(idx_hbm.at[f, wid], idx_v.at[f])

    tables = (ent_hbm, rel_hbm, ent_hbm)

    def gather(k):
        f, c = divmod(k, _NCHUNK)
        j = k % _NBUF
        return pltpu.async_copy(
            tables[f].at[idx_v.at[f, c]], rows_v.at[j], gsems[j])

    def writeback(k):
        f, c = divmod(k, _NCHUNK)
        j = k % _NBUF
        return pltpu.async_copy(
            rows_v.at[j], out_hbm.at[f, pl.ds(base + c * _CHUNK, _CHUNK)],
            wsems[j])

    gdescs = [None] * _NJOBS
    wdescs = [None] * _NJOBS
    for k in range(min(_NBUF, _NJOBS)):
        gdescs[k] = gather(k)
    for k in range(_NJOBS):
        gdescs[k].wait()
        wdescs[k] = writeback(k)
        nxt = k + _NBUF
        if nxt < _NJOBS:
            wdescs[k].wait()
            gdescs[nxt] = gather(nxt)
    for k in range(max(0, _NJOBS - _NBUF), _NJOBS):
        wdescs[k].wait()


def _sc_gather(idx_slice, ent_emb, rel_emb):
    mesh = plsc.VectorSubcoreMesh(core_axis_name="c", subcore_axis_name="s")
    return pl.kernel(
        _sc_gather_body,
        out_type=jax.ShapeDtypeStruct((3, _BC, _KGE_DIM), jnp.float32),
        mesh=mesh,
        scratch_types=[
            pltpu.VMEM((3, _NCHUNK, _CHUNK), jnp.int32),
            pltpu.VMEM((_NBUF, _CHUNK, _KGE_DIM), jnp.float32),
            [pltpu.SemaphoreType.DMA] * _NBUF,
            [pltpu.SemaphoreType.DMA] * _NBUF,
        ],
    )(idx_slice, ent_emb, rel_emb)


_BM = 1024


def _tc_matmul_body(emb_ref, w_ref, b_ref, out_ref):
    w = w_ref[...]
    bias = b_ref[...]
    for f in range(3):
        acc = jnp.dot(emb_ref[f], w, preferred_element_type=jnp.float32)
        out_ref[f] = acc + bias


def _tc_matmul_body_acc(prev_ref, emb_ref, w_ref, b_ref, out_ref):
    del prev_ref
    _tc_matmul_body(emb_ref, w_ref, b_ref, out_ref)


def _tc_matmul_slice(s, embs_s, W, b, prev=None):
    base_blk = s * (_BC // _BM)
    emb_spec = pl.BlockSpec((3, _BM, _KGE_DIM), lambda i: (0, i, 0))
    w_spec = pl.BlockSpec((_KGE_DIM, _DM), lambda i: (0, 0))
    b_spec = pl.BlockSpec((_DM,), lambda i: (0,))
    out_spec = pl.BlockSpec(
        (3, _BM, _DM), lambda i: (0, base_blk + i, 0))
    out_shape = jax.ShapeDtypeStruct((3, _B, _DM), jnp.float32)
    if prev is None:
        return pl.pallas_call(
            _tc_matmul_body,
            grid=(_BC // _BM,),
            in_specs=[emb_spec, w_spec, b_spec],
            out_specs=out_spec,
            out_shape=out_shape,
        )(embs_s, W, b)
    return pl.pallas_call(
        _tc_matmul_body_acc,
        grid=(_BC // _BM,),
        in_specs=[
            pl.BlockSpec(memory_space=pl.ANY),
            emb_spec, w_spec, b_spec,
        ],
        out_specs=out_spec,
        out_shape=out_shape,
        input_output_aliases={0: 0},
    )(prev, embs_s, W, b)


def kernel(triples, ent_emb, rel_emb, W, b):
    idx_all = jnp.transpose(triples, (1, 0)).reshape(
        3, _NSLICE, _NW, _NCHUNK, _CHUNK)
    embs = [_sc_gather(idx_all[:, s], ent_emb, rel_emb)
            for s in range(_NSLICE)]
    out = None
    for s in range(_NSLICE):
        out = _tc_matmul_slice(s, embs[s], W, b, prev=out)
    return jnp.transpose(out, (1, 0, 2))

# --- scband reference (transcript-rebuilt; emitter-appended) ---
"""Pipeline reference for scband-kgembedding-18751827214758 (READ-ONLY COPY).

The authoritative reference and input builder live on the scoring server;
editing this copy changes nothing except your own understanding.
"""

import jax, jax.numpy as jnp
import numpy as np

NUM_ENT = 1000000
NUM_REL = 1000000
KGE_DIM = 128
DIM_MODEL = 768
NUM_PREFIX = 1
BATCH = 16384


def setup_inputs(seed: int = 0) -> dict:
    key = jax.random.key(seed)
    k1, k2, k3, k4 = jax.random.split(key, 4)
    triples = jax.random.randint(k1, (BATCH, 3), 0, NUM_ENT, dtype=jnp.int64 if jax.config.jax_enable_x64 else jnp.int32)
    ent_emb = jax.random.normal(k2, (NUM_ENT, KGE_DIM), dtype=jnp.float32)
    rel_emb = jax.random.normal(k3, (NUM_REL, KGE_DIM), dtype=jnp.float32)
    W = jax.random.normal(k4, (KGE_DIM, NUM_PREFIX * DIM_MODEL), dtype=jnp.float32) * 0.02
    b = jnp.zeros((NUM_PREFIX * DIM_MODEL,), dtype=jnp.float32)
    return {"triples": triples, "ent_emb": ent_emb, "rel_emb": rel_emb, "W": W, "b": b}


def reference(triples, ent_emb, rel_emb, W, b):
    h = jnp.take(ent_emb, triples[:, 0], axis=0)
    r = jnp.take(rel_emb, triples[:, 1], axis=0)
    t = jnp.take(ent_emb, triples[:, 2], axis=0)
    embs = jnp.stack((h, r, t), axis=1)  # [B, 3, kge_dim]
    prefix = embs @ W + b  # nn.Linear: x W + b
    prefix_emb = prefix.reshape(-1, NUM_PREFIX * 3, DIM_MODEL)
    return prefix_emb

if __name__ == "__main__":
    import jax
    _d = setup_inputs()
    print(jax.jit(kernel)(*tuple(_d.values())))

</pallas_src>

<mosaic_0001>
#map = affine_map<(d0, d1) -> (0, 0, 0, 0)>
#map1 = affine_map<(d0, d1) -> (0, 0)>
#map2 = affine_map<(d0, d1) -> (0, 0, 0)>
module attributes {stable_mosaic.version = 14 : i64} {
  func.func @_sc_gather_body(%arg0: i32, %arg1: i32, %arg2: memref<3x32x2x128xi32, #tpu.memory_space<hbm>>, %arg3: memref<1000000x128xf32, #tpu.memory_space<hbm>>, %arg4: memref<1000000x128xf32, #tpu.memory_space<hbm>>, %arg5: memref<3x8192x128xf32, #tpu.memory_space<hbm>>, %arg6: memref<3x2x128xi32, #tpu.memory_space<vmem>>, %arg7: memref<6x128x128xf32, #tpu.memory_space<vmem>>, %arg8: memref<!tpu.dma_semaphore, #tpu.memory_space<semaphore_mem>>, %arg9: memref<!tpu.dma_semaphore, #tpu.memory_space<semaphore_mem>>, %arg10: memref<!tpu.dma_semaphore, #tpu.memory_space<semaphore_mem>>, %arg11: memref<!tpu.dma_semaphore, #tpu.memory_space<semaphore_mem>>, %arg12: memref<!tpu.dma_semaphore, #tpu.memory_space<semaphore_mem>>, %arg13: memref<!tpu.dma_semaphore, #tpu.memory_space<semaphore_mem>>, %arg14: memref<!tpu.dma_semaphore, #tpu.memory_space<semaphore_mem>>, %arg15: memref<!tpu.dma_semaphore, #tpu.memory_space<semaphore_mem>>, %arg16: memref<!tpu.dma_semaphore, #tpu.memory_space<semaphore_mem>>, %arg17: memref<!tpu.dma_semaphore, #tpu.memory_space<semaphore_mem>>, %arg18: memref<!tpu.dma_semaphore, #tpu.memory_space<semaphore_mem>>, %arg19: memref<!tpu.dma_semaphore, #tpu.memory_space<semaphore_mem>>) attributes {dimension_semantics = [#tpu.dimension_semantics<core_parallel>, #tpu.dimension_semantics<subcore_parallel>], iteration_bounds = array<i64: 2, 16>, scalar_prefetch = 0 : i64, scratch_operands = 14 : i64, tpu.core_type = #tpu.core_type<sc_vector_subcore>, window_params = [{transform_indices = #map}, {transform_indices = #map1}, {transform_indices = #map1}, {transform_indices = #map2}]} {
    %mul3A = arith.constant 2 : i32
    %mul3A_0 = arith.muli %arg1, %mul3A : i32
    %add3A = arith.addi %mul3A_0, %arg0 : i32
    %mul3A_1 = arith.constant 256 : i32
    %mul3A_2 = arith.muli %add3A, %mul3A_1 : i32
    %run_scoped3A = arith.constant 0 : i32
    %run_scoped3A_3 = arith.constant 0 : i32
    "tpu.region"() ({
      %run_scoped3A_366 = tpu.sem_alloc : memref<!tpu.dma_semaphore, #tpu.memory_space<semaphore_mem>>
      %dma_start3A_367 = arith.constant 0 : i32
      %dma_start3A_368 = arith.constant 0 : i32
      %dma_start3A_369 = tpu.memref_slice %arg6[%run_scoped3A_3, %dma_start3A_367, %dma_start3A_368] : memref<3x2x128xi32, #tpu.memory_space<vmem>> -> memref<1x2x128xi32, #tpu.memory_space<vmem>>
      %dma_start3A_370 = tpu.memref_squeeze %dma_start3A_369 : memref<1x2x128xi32, #tpu.memory_space<vmem>> -> memref<2x128xi32, #tpu.memory_space<vmem>>
      %dma_start3A_371 = arith.constant 0 : i32
      %dma_start3A_372 = arith.constant 0 : i32
      %dma_start3A_373 = tpu.memref_slice %arg2[%run_scoped3A, %add3A, %dma_start3A_371, %dma_start3A_372] : memref<3x32x2x128xi32, #tpu.memory_space<hbm>> -> memref<1x1x2x128xi32, #tpu.memory_space<hbm>>
      %dma_start3A_374 = tpu.memref_squeeze %dma_start3A_373 : memref<1x1x2x128xi32, #tpu.memory_space<hbm>> -> memref<2x128xi32, #tpu.memory_space<hbm>>
      %dma_start3A_375 = arith.constant 0 : i32
      %dma_start3A_376 = arith.constant 0 : i32
      %dma_start3A_377 = tpu.memref_slice %arg6[%run_scoped3A_3, %dma_start3A_375, %dma_start3A_376] : memref<3x2x128xi32, #tpu.memory_space<vmem>> -> memref<1x2x128xi32, #tpu.memory_space<vmem>>
      %dma_start3A_378 = tpu.memref_squeeze %dma_start3A_377 : memref<1x2x128xi32, #tpu.memory_space<vmem>> -> memref<2x128xi32, #tpu.memory_space<vmem>>
      %dma_start3A_379 = arith.constant 0 : i32
      %dma_start3A_380 = arith.constant 0 : i32
      %dma_start3A_381 = tpu.memref_slice %arg2[%run_scoped3A, %add3A, %dma_start3A_379, %dma_start3A_380] : memref<3x32x2x128xi32, #tpu.memory_space<hbm>> -> memref<1x1x2x128xi32, #tpu.memory_space<hbm>>
      %dma_start3A_382 = tpu.memref_squeeze %dma_start3A_381 : memref<1x1x2x128xi32, #tpu.memory_space<hbm>> -> memref<2x128xi32, #tpu.memory_space<hbm>>
      tpu.enqueue_dma source(%dma_start3A_382 : memref<2x128xi32, #tpu.memory_space<hbm>>) target(%dma_start3A_378 : memref<2x128xi32, #tpu.memory_space<vmem>>) target_semaphore(%run_scoped3A_366 : memref<!tpu.dma_semaphore, #tpu.memory_space<semaphore_mem>>)
      %dma_wait3A_383 = arith.constant 0 : i32
      %dma_wait3A_384 = arith.constant 0 : i32
      %dma_wait3A_385 = tpu.memref_slice %arg6[%run_scoped3A_3, %dma_wait3A_383, %dma_wait3A_384] : memref<3x2x128xi32, #tpu.memory_space<vmem>> -> memref<1x2x128xi32, #tpu.memory_space<vmem>>
      %dma_wait3A_386 = tpu.memref_squeeze %dma_wait3A_385 : memref<1x2x128xi32, #tpu.memory_space<vmem>> -> memref<2x128xi32, #tpu.memory_space<vmem>>
      %dma_wait3A_387 = arith.constant 0 : i32
      %dma_wait3A_388 = arith.constant 0 : i32
      %dma_wait3A_389 = tpu.memref_slice %arg2[%run_scoped3A, %add3A, %dma_wait3A_387, %dma_wait3A_388] : memref<3x32x2x128xi32, #tpu.memory_space<hbm>> -> memref<1x1x2x128xi32, #tpu.memory_space<hbm>>
      %dma_wait3A_390 = tpu.memref_squeeze %dma_wait3A_389 : memref<1x1x2x128xi32, #tpu.memory_space<hbm>> -> memref<2x128xi32, #tpu.memory_space<hbm>>
      %dma_wait3A_391 = arith.constant 0 : i32
      %dma_wait3A_392 = arith.constant 0 : i32
      %dma_wait3A_393 = tpu.memref_slice %arg6[%run_scoped3A_3, %dma_wait3A_391, %dma_wait3A_392] : memref<3x2x128xi32, #tpu.memory_space<vmem>> -> memref<1x2x128xi32, #tpu.memory_space<vmem>>
      %dma_wait3A_394 = tpu.memref_squeeze %dma_wait3A_393 : memref<1x2x128xi32, #tpu.memory_space<vmem>> -> memref<2x128xi32, #tpu.memory_space<vmem>>
      %dma_wait3A_395 = arith.constant 0 : i32
      %dma_wait3A_396 = arith.constant 0 : i32
      %dma_wait3A_397 = tpu.memref_slice %arg2[%run_scoped3A, %add3A, %dma_wait3A_395, %dma_wait3A_396] : memref<3x32x2x128xi32, #tpu.memory_space<hbm>> -> memref<1x1x2x128xi32, #tpu.memory_space<hbm>>
      %dma_wait3A_398 = tpu.memref_squeeze %dma_wait3A_397 : memref<1x1x2x128xi32, #tpu.memory_space<hbm>> -> memref<2x128xi32, #tpu.memory_space<hbm>>
      tpu.wait_dma2 semaphore(%run_scoped3A_366 : memref<!tpu.dma_semaphore, #tpu.memory_space<semaphore_mem>>) src(%dma_wait3A_398 : memref<2x128xi32, #tpu.memory_space<hbm>>) dst(%dma_wait3A_394 : memref<2x128xi32, #tpu.memory_space<vmem>>)
      tpu.yield
    }) : () -> ()
    %run_scoped3A_4 = arith.constant 1 : i32
    %run_scoped3A_5 = arith.constant 1 : i32
    "tpu.region"() ({
      %run_scoped3A_366 = tpu.sem_alloc : memref<!tpu.dma_semaphore, #tpu.memory_space<semaphore_mem>>
      %dma_start3A_367 = arith.constant 0 : i32
      %dma_start3A_368 = arith.constant 0 : i32
      %dma_start3A_369 = tpu.memref_slice %arg6[%run_scoped3A_5, %dma_start3A_367, %dma_start3A_368] : memref<3x2x128xi32, #tpu.memory_space<vmem>> -> memref<1x2x128xi32, #tpu.memory_space<vmem>>
      %dma_start3A_370 = tpu.memref_squeeze %dma_start3A_369 : memref<1x2x128xi32, #tpu.memory_space<vmem>> -> memref<2x128xi32, #tpu.memory_space<vmem>>
      %dma_start3A_371 = arith.constant 0 : i32
      %dma_start3A_372 = arith.constant 0 : i32
      %dma_start3A_373 = tpu.memref_slice %arg2[%run_scoped3A_4, %add3A, %dma_start3A_371, %dma_start3A_372] : memref<3x32x2x128xi32, #tpu.memory_space<hbm>> -> memref<1x1x2x128xi32, #tpu.memory_space<hbm>>
      %dma_start3A_374 = tpu.memref_squeeze %dma_start3A_373 : memref<1x1x2x128xi32, #tpu.memory_space<hbm>> -> memref<2x128xi32, #tpu.memory_space<hbm>>
      %dma_start3A_375 = arith.constant 0 : i32
      %dma_start3A_376 = arith.constant 0 : i32
      %dma_start3A_377 = tpu.memref_slice %arg6[%run_scoped3A_5, %dma_start3A_375, %dma_start3A_376] : memref<3x2x128xi32, #tpu.memory_space<vmem>> -> memref<1x2x128xi32, #tpu.memory_space<vmem>>
      %dma_start3A_378 = tpu.memref_squeeze %dma_start3A_377 : memref<1x2x128xi32, #tpu.memory_space<vmem>> -> memref<2x128xi32, #tpu.memory_space<vmem>>
      %dma_start3A_379 = arith.constant 0 : i32
      %dma_start3A_380 = arith.constant 0 : i32
      %dma_start3A_381 = tpu.memref_slice %arg2[%run_scoped3A_4, %add3A, %dma_start3A_379, %dma_start3A_380] : memref<3x32x2x128xi32, #tpu.memory_space<hbm>> -> memref<1x1x2x128xi32, #tpu.memory_space<hbm>>
      %dma_start3A_382 = tpu.memref_squeeze %dma_start3A_381 : memref<1x1x2x128xi32, #tpu.memory_space<hbm>> -> memref<2x128xi32, #tpu.memory_space<hbm>>
      tpu.enqueue_dma source(%dma_start3A_382 : memref<2x128xi32, #tpu.memory_space<hbm>>) target(%dma_start3A_378 : memref<2x128xi32, #tpu.memory_space<vmem>>) target_semaphore(%run_scoped3A_366 : memref<!tpu.dma_semaphore, #tpu.memory_space<semaphore_mem>>)
      %dma_wait3A_383 = arith.constant 0 : i32
      %dma_wait3A_384 = arith.constant 0 : i32
      %dma_wait3A_385 = tpu.memref_slice %arg6[%run_scoped3A_5, %dma_wait3A_383, %dma_wait3A_384] : memref<3x2x128xi32, #tpu.memory_space<vmem>> -> memref<1x2x128xi32, #tpu.memory_space<vmem>>
      %dma_wait3A_386 = tpu.memref_squeeze %dma_wait3A_385 : memref<1x2x128xi32, #tpu.memory_space<vmem>> -> memref<2x128xi32, #tpu.memory_space<vmem>>
      %dma_wait3A_387 = arith.constant 0 : i32
      %dma_wait3A_388 = arith.constant 0 : i32
      %dma_wait3A_389 = tpu.memref_slice %arg2[%run_scoped3A_4, %add3A, %dma_wait3A_387, %dma_wait3A_388] : memref<3x32x2x128xi32, #tpu.memory_space<hbm>> -> memref<1x1x2x128xi32, #tpu.memory_space<hbm>>
      %dma_wait3A_390 = tpu.memref_squeeze %dma_wait3A_389 : memref<1x1x2x128xi32, #tpu.memory_space<hbm>> -> memref<2x128xi32, #tpu.memory_space<hbm>>
      %dma_wait3A_391 = arith.constant 0 : i32
      %dma_wait3A_392 = arith.constant 0 : i32
      %dma_wait3A_393 = tpu.memref_slice %arg6[%run_scoped3A_5, %dma_wait3A_391, %dma_wait3A_392] : memref<3x2x128xi32, #tpu.memory_space<vmem>> -> memref<1x2x128xi32, #tpu.memory_space<vmem>>
      %dma_wait3A_394 = tpu.memref_squeeze %dma_wait3A_393 : memref<1x2x128xi32, #tpu.memory_space<vmem>> -> memref<2x128xi32, #tpu.memory_space<vmem>>
      %dma_wait3A_395 = arith.constant 0 : i32
      %dma_wait3A_396 = arith.constant 0 : i32
      %dma_wait3A_397 = tpu.memref_slice %arg2[%run_scoped3A_4, %add3A, %dma_wait3A_395, %dma_wait3A_396] : memref<3x32x2x128xi32, #tpu.memory_space<hbm>> -> memref<1x1x2x128xi32, #tpu.memory_space<hbm>>
      %dma_wait3A_398 = tpu.memref_squeeze %dma_wait3A_397 : memref<1x1x2x128xi32, #tpu.memory_space<hbm>> -> memref<2x128xi32, #tpu.memory_space<hbm>>
      tpu.wait_dma2 semaphore(%run_scoped3A_366 : memref<!tpu.dma_semaphore, #tpu.memory_space<semaphore_mem>>) src(%dma_wait3A_398 : memref<2x128xi32, #tpu.memory_space<hbm>>) dst(%dma_wait3A_394 : memref<2x128xi32, #tpu.memory_space<vmem>>)
      tpu.yield
    }) : () -> ()
    %run_scoped3A_6 = arith.constant 2 : i32
    %run_scoped3A_7 = arith.constant 2 : i32
    "tpu.region"() ({
      %run_scoped3A_366 = tpu.sem_alloc : memref<!tpu.dma_semaphore, #tpu.memory_space<semaphore_mem>>
      %dma_start3A_367 = arith.constant 0 : i32
      %dma_start3A_368 = arith.constant 0 : i32
      %dma_start3A_369 = tpu.memref_slice %arg6[%run_scoped3A_7, %dma_start3A_367, %dma_start3A_368] : memref<3x2x128xi32, #tpu.memory_space<vmem>> -> memref<1x2x128xi32, #tpu.memory_space<vmem>>
      %dma_start3A_370 = tpu.memref_squeeze %dma_start3A_369 : memref<1x2x128xi32, #tpu.memory_space<vmem>> -> memref<2x128xi32, #tpu.memory_space<vmem>>
      %dma_start3A_371 = arith.constant 0 : i32
      %dma_start3A_372 = arith.constant 0 : i32
      %dma_start3A_373 = tpu.memref_slice %arg2[%run_scoped3A_6, %add3A, %dma_start3A_371, %dma_start3A_372] : memref<3x32x2x128xi32, #tpu.memory_space<hbm>> -> memref<1x1x2x128xi32, #tpu.memory_space<hbm>>
      %dma_start3A_374 = tpu.memref_squeeze %dma_start3A_373 : memref<1x1x2x128xi32, #tpu.memory_space<hbm>> -> memref<2x128xi32, #tpu.memory_space<hbm>>
      %dma_start3A_375 = arith.constant 0 : i32
      %dma_start3A_376 = arith.constant 0 : i32
      %dma_start3A_377 = tpu.memref_slice %arg6[%run_scoped3A_7, %dma_start3A_375, %dma_start3A_376] : memref<3x2x128xi32, #tpu.memory_space<vmem>> -> memref<1x2x128xi32, #tpu.memory_space<vmem>>
      %dma_start3A_378 = tpu.memref_squeeze %dma_start3A_377 : memref<1x2x128xi32, #tpu.memory_space<vmem>> -> memref<2x128xi32, #tpu.memory_space<vmem>>
      %dma_start3A_379 = arith.constant 0 : i32
      %dma_start3A_380 = arith.constant 0 : i32
      %dma_start3A_381 = tpu.memref_slice %arg2[%run_scoped3A_6, %add3A, %dma_start3A_379, %dma_start3A_380] : memref<3x32x2x128xi32, #tpu.memory_space<hbm>> -> memref<1x1x2x128xi32, #tpu.memory_space<hbm>>
      %dma_start3A_382 = tpu.memref_squeeze %dma_start3A_381 : memref<1x1x2x128xi32, #tpu.memory_space<hbm>> -> memref<2x128xi32, #tpu.memory_space<hbm>>
      tpu.enqueue_dma source(%dma_start3A_382 : memref<2x128xi32, #tpu.memory_space<hbm>>) target(%dma_start3A_378 : memref<2x128xi32, #tpu.memory_space<vmem>>) target_semaphore(%run_scoped3A_366 : memref<!tpu.dma_semaphore, #tpu.memory_space<semaphore_mem>>)
      %dma_wait3A_383 = arith.constant 0 : i32
      %dma_wait3A_384 = arith.constant 0 : i32
      %dma_wait3A_385 = tpu.memref_slice %arg6[%run_scoped3A_7, %dma_wait3A_383, %dma_wait3A_384] : memref<3x2x128xi32, #tpu.memory_space<vmem>> -> memref<1x2x128xi32, #tpu.memory_space<vmem>>
      %dma_wait3A_386 = tpu.memref_squeeze %dma_wait3A_385 : memref<1x2x128xi32, #tpu.memory_space<vmem>> -> memref<2x128xi32, #tpu.memory_space<vmem>>
      %dma_wait3A_387 = arith.constant 0 : i32
      %dma_wait3A_388 = arith.constant 0 : i32
      %dma_wait3A_389 = tpu.memref_slice %arg2[%run_scoped3A_6, %add3A, %dma_wait3A_387, %dma_wait3A_388] : memref<3x32x2x128xi32, #tpu.memory_space<hbm>> -> memref<1x1x2x128xi32, #tpu.memory_space<hbm>>
      %dma_wait3A_390 = tpu.memref_squeeze %dma_wait3A_389 : memref<1x1x2x128xi32, #tpu.memory_space<hbm>> -> memref<2x128xi32, #tpu.memory_space<hbm>>
      %dma_wait3A_391 = arith.constant 0 : i32
      %dma_wait3A_392 = arith.constant 0 : i32
      %dma_wait3A_393 = tpu.memref_slice %arg6[%run_scoped3A_7, %dma_wait3A_391, %dma_wait3A_392] : memref<3x2x128xi32, #tpu.memory_space<vmem>> -> memref<1x2x128xi32, #tpu.memory_space<vmem>>
      %dma_wait3A_394 = tpu.memref_squeeze %dma_wait3A_393 : memref<1x2x128xi32, #tpu.memory_space<vmem>> -> memref<2x128xi32, #tpu.memory_space<vmem>>
      %dma_wait3A_395 = arith.constant 0 : i32
      %dma_wait3A_396 = arith.constant 0 : i32
      %dma_wait3A_397 = tpu.memref_slice %arg2[%run_scoped3A_6, %add3A, %dma_wait3A_395, %dma_wait3A_396] : memref<3x32x2x128xi32, #tpu.memory_space<hbm>> -> memref<1x1x2x128xi32, #tpu.memory_space<hbm>>
      %dma_wait3A_398 = tpu.memref_squeeze %dma_wait3A_397 : memref<1x1x2x128xi32, #tpu.memory_space<hbm>> -> memref<2x128xi32, #tpu.memory_space<hbm>>
      tpu.wait_dma2 semaphore(%run_scoped3A_366 : memref<!tpu.dma_semaphore, #tpu.memory_space<semaphore_mem>>) src(%dma_wait3A_398 : memref<2x128xi32, #tpu.memory_space<hbm>>) dst(%dma_wait3A_394 : memref<2x128xi32, #tpu.memory_space<vmem>>)
      tpu.yield
    }) : () -> ()
    %dma_start3A = arith.constant 0 : i32
    %dma_start3A_8 = arith.constant 0 : i32
    %dma_start3A_9 = arith.constant 0 : i32
    %dma_start3A_10 = arith.constant 0 : i32
    %dma_start3A_11 = arith.constant 0 : i32
    %dma_start3A_12 = tpu.memref_slice %arg7[%dma_start3A_9, %dma_start3A_10, %dma_start3A_11] : memref<6x128x128xf32, #tpu.memory_space<vmem>> -> memref<1x128x128xf32, #tpu.memory_space<vmem>>
    %dma_start3A_13 = tpu.memref_squeeze %dma_start3A_12 : memref<1x128x128xf32, #tpu.memory_space<vmem>> -> memref<128x128xf32, #tpu.memory_space<vmem>>
    %dma_start3A_14 = arith.constant 0 : i32
    %dma_start3A_15 = tpu.memref_slice %arg6[%dma_start3A, %dma_start3A_8, %dma_start3A_14] : memref<3x2x128xi32, #tpu.memory_space<vmem>> -> memref<1x1x128xi32, #tpu.memory_space<vmem>>
    %dma_start3A_16 = tpu.memref_squeeze %dma_start3A_15 : memref<1x1x128xi32, #tpu.memory_space<vmem>> -> memref<128xi32, #tpu.memory_space<vmem>>
    %dma_start3A_17 = arith.constant 0 : i32
    %dma_start3A_18 = arith.constant 0 : i32
    %dma_start3A_19 = tpu.memref_slice %arg3[%dma_start3A_17, %dma_start3A_18] : memref<1000000x128xf32, #tpu.memory_space<hbm>> -> memref<1000000x128xf32, #tpu.memory_space<hbm>>
    tpu.enqueue_indirect_dma source(%dma_start3A_19 : memref<1000000x128xf32, #tpu.memory_space<hbm>>) target(%dma_start3A_13 : memref<128x128xf32, #tpu.memory_space<vmem>>) offsets(%dma_start3A_16 : memref<128xi32, #tpu.memory_space<vmem>>) semaphore(%arg8 : memref<!tpu.dma_semaphore, #tpu.memory_space<semaphore_mem>>)
    %dma_start3A_20 = arith.constant 0 : i32
    %dma_start3A_21 = arith.constant 1 : i32
    %dma_start3A_22 = arith.constant 1 : i32
    %dma_start3A_23 = arith.constant 0 : i32
    %dma_start3A_24 = arith.constant 0 : i32
    %dma_start3A_25 = tpu.memref_slice %arg7[%dma_start3A_22, %dma_start3A_23, %dma_start3A_24] : memref<6x128x128xf32, #tpu.memory_space<vmem>> -> memref<1x128x128xf32, #tpu.memory_space<vmem>>
    %dma_start3A_26 = tpu.memref_squeeze %dma_start3A_25 : memref<1x128x128xf32, #tpu.memory_space<vmem>> -> memref<128x128xf32, #tpu.memory_space<vmem>>
    %dma_start3A_27 = arith.constant 0 : i32
    %dma_start3A_28 = tpu.memref_slice %arg6[%dma_start3A_20, %dma_start3A_21, %dma_start3A_27] : memref<3x2x128xi32, #tpu.memory_space<vmem>> -> memref<1x1x128xi32, #tpu.memory_space<vmem>>
    %dma_start3A_29 = tpu.memref_squeeze %dma_start3A_28 : memref<1x1x128xi32, #tpu.memory_space<vmem>> -> memref<128xi32, #tpu.memory_space<vmem>>
    %dma_start3A_30 = arith.constant 0 : i32
    %dma_start3A_31 = arith.constant 0 : i32
    %dma_start3A_32 = tpu.memref_slice %arg3[%dma_start3A_30, %dma_start3A_31] : memref<1000000x128xf32, #tpu.memory_space<hbm>> -> memref<1000000x128xf32, #tpu.memory_space<hbm>>
    tpu.enqueue_indirect_dma source(%dma_start3A_32 : memref<1000000x128xf32, #tpu.memory_space<hbm>>) target(%dma_start3A_26 : memref<128x128xf32, #tpu.memory_space<vmem>>) offsets(%dma_start3A_29 : memref<128xi32, #tpu.memory_space<vmem>>) semaphore(%arg9 : memref<!tpu.dma_semaphore, #tpu.memory_space<semaphore_mem>>)
    %dma_start3A_33 = arith.constant 1 : i32
    %dma_start3A_34 = arith.constant 0 : i32
    %dma_start3A_35 = arith.constant 2 : i32
    %dma_start3A_36 = arith.constant 0 : i32
    %dma_start3A_37 = arith.constant 0 : i32
    %dma_start3A_38 = tpu.memref_slice %arg7[%dma_start3A_35, %dma_start3A_36, %dma_start3A_37] : memref<6x128x128xf32, #tpu.memory_space<vmem>> -> memref<1x128x128xf32, #tpu.memory_space<vmem>>
    %dma_start3A_39 = tpu.memref_squeeze %dma_start3A_38 : memref<1x128x128xf32, #tpu.memory_space<vmem>> -> memref<128x128xf32, #tpu.memory_space<vmem>>
    %dma_start3A_40 = arith.constant 0 : i32
    %dma_start3A_41 = tpu.memref_slice %arg6[%dma_start3A_33, %dma_start3A_34, %dma_start3A_40] : memref<3x2x128xi32, #tpu.memory_space<vmem>> -> memref<1x1x128xi32, #tpu.memory_space<vmem>>
    %dma_start3A_42 = tpu.memref_squeeze %dma_start3A_41 : memref<1x1x128xi32, #tpu.memory_space<vmem>> -> memref<128xi32, #tpu.memory_space<vmem>>
    %dma_start3A_43 = arith.constant 0 : i32
    %dma_start3A_44 = arith.constant 0 : i32
    %dma_start3A_45 = tpu.memref_slice %arg4[%dma_start3A_43, %dma_start3A_44] : memref<1000000x128xf32, #tpu.memory_space<hbm>> -> memref<1000000x128xf32, #tpu.memory_space<hbm>>
    tpu.enqueue_indirect_dma source(%dma_start3A_45 : memref<1000000x128xf32, #tpu.memory_space<hbm>>) target(%dma_start3A_39 : memref<128x128xf32, #tpu.memory_space<vmem>>) offsets(%dma_start3A_42 : memref<128xi32, #tpu.memory_space<vmem>>) semaphore(%arg10 : memref<!tpu.dma_semaphore, #tpu.memory_space<semaphore_mem>>)
    %dma_start3A_46 = arith.constant 1 : i32
    %dma_start3A_47 = arith.constant 1 : i32
    %dma_start3A_48 = arith.constant 3 : i32
    %dma_start3A_49 = arith.constant 0 : i32
    %dma_start3A_50 = arith.constant 0 : i32
    %dma_start3A_51 = tpu.memref_slice %arg7[%dma_start3A_48, %dma_start3A_49, %dma_start3A_50] : memref<6x128x128xf32, #tpu.memory_space<vmem>> -> memref<1x128x128xf32, #tpu.memory_space<vmem>>
    %dma_start3A_52 = tpu.memref_squeeze %dma_start3A_51 : memref<1x128x128xf32, #tpu.memory_space<vmem>> -> memref<128x128xf32, #tpu.memory_space<vmem>>
    %dma_start3A_53 = arith.constant 0 : i32
    %dma_start3A_54 = tpu.memref_slice %arg6[%dma_start3A_46, %dma_start3A_47, %dma_start3A_53] : memref<3x2x128xi32, #tpu.memory_space<vmem>> -> memref<1x1x128xi32, #tpu.memory_space<vmem>>
    %dma_start3A_55 = tpu.memref_squeeze %dma_start3A_54 : memref<1x1x128xi32, #tpu.memory_space<vmem>> -> memref<128xi32, #tpu.memory_space<vmem>>
    %dma_start3A_56 = arith.constant 0 : i32
    %dma_start3A_57 = arith.constant 0 : i32
    %dma_start3A_58 = tpu.memref_slice %arg4[%dma_start3A_56, %dma_start3A_57] : memref<1000000x128xf32, #tpu.memory_space<hbm>> -> memref<1000000x128xf32, #tpu.memory_space<hbm>>
    tpu.enqueue_indirect_dma source(%dma_start3A_58 : memref<1000000x128xf32, #tpu.memory_space<hbm>>) target(%dma_start3A_52 : memref<128x128xf32, #tpu.memory_space<vmem>>) offsets(%dma_start3A_55 : memref<128xi32, #tpu.memory_space<vmem>>) semaphore(%arg11 : memref<!tpu.dma_semaphore, #tpu.memory_space<semaphore_mem>>)
    %dma_start3A_59 = arith.constant 2 : i32
    %dma_start3A_60 = arith.constant 0 : i32
    %dma_start3A_61 = arith.constant 4 : i32
    %dma_start3A_62 = arith.constant 0 : i32
    %dma_start3A_63 = arith.constant 0 : i32
    %dma_start3A_64 = tpu.memref_slice %arg7[%dma_start3A_61, %dma_start3A_62, %dma_start3A_63] : memref<6x128x128xf32, #tpu.memory_space<vmem>> -> memref<1x128x128xf32, #tpu.memory_space<vmem>>
    %dma_start3A_65 = tpu.memref_squeeze %dma_start3A_64 : memref<1x128x128xf32, #tpu.memory_space<vmem>> -> memref<128x128xf32, #tpu.memory_space<vmem>>
    %dma_start3A_66 = arith.constant 0 : i32
    %dma_start3A_67 = tpu.memref_slice %arg6[%dma_start3A_59, %dma_start3A_60, %dma_start3A_66] : memref<3x2x128xi32, #tpu.memory_space<vmem>> -> memref<1x1x128xi32, #tpu.memory_space<vmem>>
    %dma_start3A_68 = tpu.memref_squeeze %dma_start3A_67 : memref<1x1x128xi32, #tpu.memory_space<vmem>> -> memref<128xi32, #tpu.memory_space<vmem>>
    %dma_start3A_69 = arith.constant 0 : i32
    %dma_start3A_70 = arith.constant 0 : i32
    %dma_start3A_71 = tpu.memref_slice %arg3[%dma_start3A_69, %dma_start3A_70] : memref<1000000x128xf32, #tpu.memory_space<hbm>> -> memref<1000000x128xf32, #tpu.memory_space<hbm>>
    tpu.enqueue_indirect_dma source(%dma_start3A_71 : memref<1000000x128xf32, #tpu.memory_space<hbm>>) target(%dma_start3A_65 : memref<128x128xf32, #tpu.memory_space<vmem>>) offsets(%dma_start3A_68 : memref<128xi32, #tpu.memory_space<vmem>>) semaphore(%arg12 : memref<!tpu.dma_semaphore, #tpu.memory_space<semaphore_mem>>)
    %dma_start3A_72 = arith.constant 2 : i32
    %dma_start3A_73 = arith.constant 1 : i32
    %dma_start3A_74 = arith.constant 5 : i32
    %dma_start3A_75 = arith.constant 0 : i32
    %dma_start3A_76 = arith.constant 0 : i32
    %dma_start3A_77 = tpu.memref_slice %arg7[%dma_start3A_74, %dma_start3A_75, %dma_start3A_76] : memref<6x128x128xf32, #tpu.memory_space<vmem>> -> memref<1x128x128xf32, #tpu.memory_space<vmem>>
    %dma_start3A_78 = tpu.memref_squeeze %dma_start3A_77 : memref<1x128x128xf32, #tpu.memory_space<vmem>> -> memref<128x128xf32, #tpu.memory_space<vmem>>
    %dma_start3A_79 = arith.constant 0 : i32
    %dma_start3A_80 = tpu.memref_slice %arg6[%dma_start3A_72, %dma_start3A_73, %dma_start3A_79] : memref<3x2x128xi32, #tpu.memory_space<vmem>> -> memref<1x1x128xi32, #tpu.memory_space<vmem>>
    %dma_start3A_81 = tpu.memref_squeeze %dma_start3A_80 : memref<1x1x128xi32, #tpu.memory_space<vmem>> -> memref<128xi32, #tpu.memory_space<vmem>>
    %dma_start3A_82 = arith.constant 0 : i32
    %dma_start3A_83 = arith.constant 0 : i32
    %dma_start3A_84 = tpu.memref_slice %arg3[%dma_start3A_82, %dma_start3A_83] : memref<1000000x128xf32, #tpu.memory_space<hbm>> -> memref<1000000x128xf32, #tpu.memory_space<hbm>>
    tpu.enqueue_indirect_dma source(%dma_start3A_84 : memref<1000000x128xf32, #tpu.memory_space<hbm>>) target(%dma_start3A_78 : memref<128x128xf32, #tpu.memory_space<vmem>>) offsets(%dma_start3A_81 : memref<128xi32, #tpu.memory_space<vmem>>) semaphore(%arg13 : memref<!tpu.dma_semaphore, #tpu.memory_space<semaphore_mem>>)
    %dma_wait3A = arith.constant 0 : i32
    %dma_wait3A_85 = arith.constant 0 : i32
    %dma_wait3A_86 = arith.constant 0 : i32
    %dma_wait3A_87 = arith.constant 0 : i32
    %dma_wait3A_88 = arith.constant 0 : i32
    %dma_wait3A_89 = tpu.memref_slice %arg7[%dma_wait3A_86, %dma_wait3A_87, %dma_wait3A_88] : memref<6x128x128xf32, #tpu.memory_space<vmem>> -> memref<1x128x128xf32, #tpu.memory_space<vmem>>
    %dma_wait3A_90 = tpu.memref_squeeze %dma_wait3A_89 : memref<1x128x128xf32, #tpu.memory_space<vmem>> -> memref<128x128xf32, #tpu.memory_space<vmem>>
    %dma_wait3A_91 = arith.constant 0 : i32
    %dma_wait3A_92 = tpu.memref_slice %arg6[%dma_wait3A, %dma_wait3A_85, %dma_wait3A_91] : memref<3x2x128xi32, #tpu.memory_space<vmem>> -> memref<1x1x128xi32, #tpu.memory_space<vmem>>
    %dma_wait3A_93 = tpu.memref_squeeze %dma_wait3A_92 : memref<1x1x128xi32, #tpu.memory_space<vmem>> -> memref<128xi32, #tpu.memory_space<vmem>>
    %dma_wait3A_94 = arith.constant 0 : i32
    %dma_wait3A_95 = arith.constant 0 : i32
    %dma_wait3A_96 = tpu.memref_slice %arg3[%dma_wait3A_94, %dma_wait3A_95] : memref<1000000x128xf32, #tpu.memory_space<hbm>> -> memref<1000000x128xf32, #tpu.memory_space<hbm>>
    tpu.wait_indirect_dma semaphore(%arg8 : memref<!tpu.dma_semaphore, #tpu.memory_space<semaphore_mem>>) src(%dma_wait3A_96 : memref<1000000x128xf32, #tpu.memory_space<hbm>>) dst(%dma_wait3A_90 : memref<128x128xf32, #tpu.memory_space<vmem>>)
    %add3A_97 = arith.constant 0 : i32
    %add3A_98 = arith.addi %mul3A_2, %add3A_97 : i32
    %dma_start3A_99 = arith.constant 0 : i32
    %dma_start3A_100 = arith.constant 0 : i32
    %dma_start3A_101 = arith.constant 0 : i32
    %dma_start3A_102 = arith.constant 0 : i32
    %dma_start3A_103 = tpu.memref_slice %arg7[%dma_start3A_99, %dma_start3A_101, %dma_start3A_102] : memref<6x128x128xf32, #tpu.memory_space<vmem>> -> memref<1x128x128xf32, #tpu.memory_space<vmem>>
    %dma_start3A_104 = tpu.memref_squeeze %dma_start3A_103 : memref<1x128x128xf32, #tpu.memory_space<vmem>> -> memref<128x128xf32, #tpu.memory_space<vmem>>
    %dma_start3A_105 = arith.constant 0 : i32
    %dma_start3A_106 = tpu.memref_slice %arg5[%dma_start3A_100, %add3A_98, %dma_start3A_105] : memref<3x8192x128xf32, #tpu.memory_space<hbm>> -> memref<1x128x128xf32, #tpu.memory_space<hbm>>
    %dma_start3A_107 = tpu.memref_squeeze %dma_start3A_106 : memref<1x128x128xf32, #tpu.memory_space<hbm>> -> memref<128x128xf32, #tpu.memory_space<hbm>>
    %dma_start3A_108 = arith.constant 0 : i32
    %dma_start3A_109 = tpu.memref_slice %arg5[%dma_start3A_100, %add3A_98, %dma_start3A_108] : memref<3x8192x128xf32, #tpu.memory_space<hbm>> -> memref<1x128x128xf32, #tpu.memory_space<hbm>>
    %dma_start3A_110 = tpu.memref_squeeze %dma_start3A_109 : memref<1x128x128xf32, #tpu.memory_space<hbm>> -> memref<128x128xf32, #tpu.memory_space<hbm>>
    %dma_start3A_111 = arith.constant 0 : i32
    %dma_start3A_112 = arith.constant 0 : i32
    %dma_start3A_113 = tpu.memref_slice %arg7[%dma_start3A_99, %dma_start3A_111, %dma_start3A_112] : memref<6x128x128xf32, #tpu.memory_space<vmem>> -> memref<1x128x128xf32, #tpu.memory_space<vmem>>
    %dma_start3A_114 = tpu.memref_squeeze %dma_start3A_113 : memref<1x128x128xf32, #tpu.memory_space<vmem>> -> memref<128x128xf32, #tpu.memory_space<vmem>>
    tpu.enqueue_dma source(%dma_start3A_114 : memref<128x128xf32, #tpu.memory_space<vmem>>) target(%dma_start3A_110 : memref<128x128xf32, #tpu.memory_space<hbm>>) target_semaphore(%arg14 : memref<!tpu.dma_semaphore, #tpu.memory_space<semaphore_mem>>)
    %dma_wait3A_115 = arith.constant 0 : i32
    %dma_wait3A_116 = arith.constant 1 : i32
    %dma_wait3A_117 = arith.constant 1 : i32
    %dma_wait3A_118 = arith.constant 0 : i32
    %dma_wait3A_119 = arith.constant 0 : i32
    %dma_wait3A_120 = tpu.memref_slice %arg7[%dma_wait3A_117, %dma_wait3A_118, %dma_wait3A_119] : memref<6x128x128xf32, #tpu.memory_space<vmem>> -> memref<1x128x128xf32, #tpu.memory_space<vmem>>
    %dma_wait3A_121 = tpu.memref_squeeze %dma_wait3A_120 : memref<1x128x128xf32, #tpu.memory_space<vmem>> -> memref<128x128xf32, #tpu.memory_space<vmem>>
    %dma_wait3A_122 = arith.constant 0 : i32
    %dma_wait3A_123 = tpu.memref_slice %arg6[%dma_wait3A_115, %dma_wait3A_116, %dma_wait3A_122] : memref<3x2x128xi32, #tpu.memory_space<vmem>> -> memref<1x1x128xi32, #tpu.memory_space<vmem>>
    %dma_wait3A_124 = tpu.memref_squeeze %dma_wait3A_123 : memref<1x1x128xi32, #tpu.memory_space<vmem>> -> memref<128xi32, #tpu.memory_space<vmem>>
    %dma_wait3A_125 = arith.constant 0 : i32
    %dma_wait3A_126 = arith.constant 0 : i32
    %dma_wait3A_127 = tpu.memref_slice %arg3[%dma_wait3A_125, %dma_wait3A_126] : memref<1000000x128xf32, #tpu.memory_space<hbm>> -> memref<1000000x128xf32, #tpu.memory_space<hbm>>
    tpu.wait_indirect_dma semaphore(%arg9 : memref<!tpu.dma_semaphore, #tpu.memory_space<semaphore_mem>>) src(%dma_wait3A_127 : memref<1000000x128xf32, #tpu.memory_space<hbm>>) dst(%dma_wait3A_121 : memref<128x128xf32, #tpu.memory_space<vmem>>)
    %add3A_128 = arith.constant 128 : i32
    %add3A_129 = arith.addi %mul3A_2, %add3A_128 : i32
    %dma_start3A_130 = arith.constant 1 : i32
    %dma_start3A_131 = arith.constant 0 : i32
    %dma_start3A_132 = arith.constant 0 : i32
    %dma_start3A_133 = arith.constant 0 : i32
    %dma_start3A_134 = tpu.memref_slice %arg7[%dma_start3A_130, %dma_start3A_132, %dma_start3A_133] : memref<6x128x128xf32, #tpu.memory_space<vmem>> -> memref<1x128x128xf32, #tpu.memory_space<vmem>>
    %dma_start3A_135 = tpu.memref_squeeze %dma_start3A_134 : memref<1x128x128xf32, #tpu.memory_space<vmem>> -> memref<128x128xf32, #tpu.memory_space<vmem>>
    %dma_start3A_136 = arith.constant 0 : i32
    %dma_start3A_137 = tpu.memref_slice %arg5[%dma_start3A_131, %add3A_129, %dma_start3A_136] : memref<3x8192x128xf32, #tpu.memory_space<hbm>> -> memref<1x128x128xf32, #tpu.memory_space<hbm>>
    %dma_start3A_138 = tpu.memref_squeeze %dma_start3A_137 : memref<1x128x128xf32, #tpu.memory_space<hbm>> -> memref<128x128xf32, #tpu.memory_space<hbm>>
    %dma_start3A_139 = arith.constant 0 : i32
    %dma_start3A_140 = tpu.memref_slice %arg5[%dma_start3A_131, %add3A_129, %dma_start3A_139] : memref<3x8192x128xf32, #tpu.memory_space<hbm>> -> memref<1x128x128xf32, #tpu.memory_space<hbm>>
    %dma_start3A_141 = tpu.memref_squeeze %dma_start3A_140 : memref<1x128x128xf32, #tpu.memory_space<hbm>> -> memref<128x128xf32, #tpu.memory_space<hbm>>
    %dma_start3A_142 = arith.constant 0 : i32
    %dma_start3A_143 = arith.constant 0 : i32
    %dma_start3A_144 = tpu.memref_slice %arg7[%dma_start3A_130, %dma_start3A_142, %dma_start3A_143] : memref<6x128x128xf32, #tpu.memory_space<vmem>> -> memref<1x128x128xf32, #tpu.memory_space<vmem>>
    %dma_start3A_145 = tpu.memref_squeeze %dma_start3A_144 : memref<1x128x128xf32, #tpu.memory_space<vmem>> -> memref<128x128xf32, #tpu.memory_space<vmem>>
    tpu.enqueue_dma source(%dma_start3A_145 : memref<128x128xf32, #tpu.memory_space<vmem>>) target(%dma_start3A_141 : memref<128x128xf32, #tpu.memory_space<hbm>>) target_semaphore(%arg15 : memref<!tpu.dma_semaphore, #tpu.memory_space<semaphore_mem>>)
    %dma_wait3A_146 = arith.constant 1 : i32
    %dma_wait3A_147 = arith.constant 0 : i32
    %dma_wait3A_148 = arith.constant 2 : i32
    %dma_wait3A_149 = arith.constant 0 : i32
    %dma_wait3A_150 = arith.constant 0 : i32
    %dma_wait3A_151 = tpu.memref_slice %arg7[%dma_wait3A_148, %dma_wait3A_149, %dma_wait3A_150] : memref<6x128x128xf32, #tpu.memory_space<vmem>> -> memref<1x128x128xf32, #tpu.memory_space<vmem>>
    %dma_wait3A_152 = tpu.memref_squeeze %dma_wait3A_151 : memref<1x128x128xf32, #tpu.memory_space<vmem>> -> memref<128x128xf32, #tpu.memory_space<vmem>>
    %dma_wait3A_153 = arith.constant 0 : i32
    %dma_wait3A_154 = tpu.memref_slice %arg6[%dma_wait3A_146, %dma_wait3A_147, %dma_wait3A_153] : memref<3x2x128xi32, #tpu.memory_space<vmem>> -> memref<1x1x128xi32, #tpu.memory_space<vmem>>
    %dma_wait3A_155 = tpu.memref_squeeze %dma_wait3A_154 : memref<1x1x128xi32, #tpu.memory_space<vmem>> -> memref<128xi32, #tpu.memory_space<vmem>>
    %dma_wait3A_156 = arith.constant 0 : i32
    %dma_wait3A_157 = arith.constant 0 : i32
    %dma_wait3A_158 = tpu.memref_slice %arg4[%dma_wait3A_156, %dma_wait3A_157] : memref<1000000x128xf32, #tpu.memory_space<hbm>> -> memref<1000000x128xf32, #tpu.memory_space<hbm>>
    tpu.wait_indirect_dma semaphore(%arg10 : memref<!tpu.dma_semaphore, #tpu.memory_space<semaphore_mem>>) src(%dma_wait3A_158 : memref<1000000x128xf32, #tpu.memory_space<hbm>>) dst(%dma_wait3A_152 : memref<128x128xf32, #tpu.memory_space<vmem>>)
    %add3A_159 = arith.constant 0 : i32
    %add3A_160 = arith.addi %mul3A_2, %add3A_159 : i32
    %dma_start3A_161 = arith.constant 2 : i32
    %dma_start3A_162 = arith.constant 1 : i32
    %dma_start3A_163 = arith.constant 0 : i32
    %dma_start3A_164 = arith.constant 0 : i32
    %dma_start3A_165 = tpu.memref_slice %arg7[%dma_start3A_161, %dma_start3A_163, %dma_start3A_164] : memref<6x128x128xf32, #tpu.memory_space<vmem>> -> memref<1x128x128xf32, #tpu.memory_space<vmem>>
    %dma_start3A_166 = tpu.memref_squeeze %dma_start3A_165 : memref<1x128x128xf32, #tpu.memory_space<vmem>> -> memref<128x128xf32, #tpu.memory_space<vmem>>
    %dma_start3A_167 = arith.constant 0 : i32
    %dma_start3A_168 = tpu.memref_slice %arg5[%dma_start3A_162, %add3A_160, %dma_start3A_167] : memref<3x8192x128xf32, #tpu.memory_space<hbm>> -> memref<1x128x128xf32, #tpu.memory_space<hbm>>
    %dma_start3A_169 = tpu.memref_squeeze %dma_start3A_168 : memref<1x128x128xf32, #tpu.memory_space<hbm>> -> memref<128x128xf32, #tpu.memory_space<hbm>>
    %dma_start3A_170 = arith.constant 0 : i32
    %dma_start3A_171 = tpu.memref_slice %arg5[%dma_start3A_162, %add3A_160, %dma_start3A_170] : memref<3x8192x128xf32, #tpu.memory_space<hbm>> -> memref<1x128x128xf32, #tpu.memory_space<hbm>>
    %dma_start3A_172 = tpu.memref_squeeze %dma_start3A_171 : memref<1x128x128xf32, #tpu.memory_space<hbm>> -> memref<128x128xf32, #tpu.memory_space<hbm>>
    %dma_start3A_173 = arith.constant 0 : i32
    %dma_start3A_174 = arith.constant 0 : i32
    %dma_start3A_175 = tpu.memref_slice %arg7[%dma_start3A_161, %dma_start3A_173, %dma_start3A_174] : memref<6x128x128xf32, #tpu.memory_space<vmem>> -> memref<1x128x128xf32, #tpu.memory_space<vmem>>
    %dma_start3A_176 = tpu.memref_squeeze %dma_start3A_175 : memref<1x128x128xf32, #tpu.memory_space<vmem>> -> memref<128x128xf32, #tpu.memory_space<vmem>>
    tpu.enqueue_dma source(%dma_start3A_176 : memref<128x128xf32, #tpu.memory_space<vmem>>) target(%dma_start3A_172 : memref<128x128xf32, #tpu.memory_space<hbm>>) target_semaphore(%arg16 : memref<!tpu.dma_semaphore, #tpu.memory_space<semaphore_mem>>)
    %dma_wait3A_177 = arith.constant 1 : i32
    %dma_wait3A_178 = arith.constant 1 : i32
    %dma_wait3A_179 = arith.constant 3 : i32
    %dma_wait3A_180 = arith.constant 0 : i32
    %dma_wait3A_181 = arith.constant 0 : i32
    %dma_wait3A_182 = tpu.memref_slice %arg7[%dma_wait3A_179, %dma_wait3A_180, %dma_wait3A_181] : memref<6x128x128xf32, #tpu.memory_space<vmem>> -> memref<1x128x128xf32, #tpu.memory_space<vmem>>
    %dma_wait3A_183 = tpu.memref_squeeze %dma_wait3A_182 : memref<1x128x128xf32, #tpu.memory_space<vmem>> -> memref<128x128xf32, #tpu.memory_space<vmem>>
    %dma_wait3A_184 = arith.constant 0 : i32
    %dma_wait3A_185 = tpu.memref_slice %arg6[%dma_wait3A_177, %dma_wait3A_178, %dma_wait3A_184] : memref<3x2x128xi32, #tpu.memory_space<vmem>> -> memref<1x1x128xi32, #tpu.memory_space<vmem>>
    %dma_wait3A_186 = tpu.memref_squeeze %dma_wait3A_185 : memref<1x1x128xi32, #tpu.memory_space<vmem>> -> memref<128xi32, #tpu.memory_space<vmem>>
    %dma_wait3A_187 = arith.constant 0 : i32
    %dma_wait3A_188 = arith.constant 0 : i32
    %dma_wait3A_189 = tpu.memref_slice %arg4[%dma_wait3A_187, %dma_wait3A_188] : memref<1000000x128xf32, #tpu.memory_space<hbm>> -> memref<1000000x128xf32, #tpu.memory_space<hbm>>
    tpu.wait_indirect_dma semaphore(%arg11 : memref<!tpu.dma_semaphore, #tpu.memory_space<semaphore_mem>>) src(%dma_wait3A_189 : memref<1000000x128xf32, #tpu.memory_space<hbm>>) dst(%dma_wait3A_183 : memref<128x128xf32, #tpu.memory_space<vmem>>)
    %add3A_190 = arith.constant 128 : i32
    %add3A_191 = arith.addi %mul3A_2, %add3A_190 : i32
    %dma_start3A_192 = arith.constant 3 : i32
    %dma_start3A_193 = arith.constant 1 : i32
    %dma_start3A_194 = arith.constant 0 : i32
    %dma_start3A_195 = arith.constant 0 : i32
    %dma_start3A_196 = tpu.memref_slice %arg7[%dma_start3A_192, %dma_start3A_194, %dma_start3A_195] : memref<6x128x128xf32, #tpu.memory_space<vmem>> -> memref<1x128x128xf32, #tpu.memory_space<vmem>>
    %dma_start3A_197 = tpu.memref_squeeze %dma_start3A_196 : memref<1x128x128xf32, #tpu.memory_space<vmem>> -> memref<128x128xf32, #tpu.memory_space<vmem>>
    %dma_start3A_198 = arith.constant 0 : i32
    %dma_start3A_199 = tpu.memref_slice %arg5[%dma_start3A_193, %add3A_191, %dma_start3A_198] : memref<3x8192x128xf32, #tpu.memory_space<hbm>> -> memref<1x128x128xf32, #tpu.memory_space<hbm>>
    %dma_start3A_200 = tpu.memref_squeeze %dma_start3A_199 : memref<1x128x128xf32, #tpu.memory_space<hbm>> -> memref<128x128xf32, #tpu.memory_space<hbm>>
    %dma_start3A_201 = arith.constant 0 : i32
    %dma_start3A_202 = tpu.memref_slice %arg5[%dma_start3A_193, %add3A_191, %dma_start3A_201] : memref<3x8192x128xf32, #tpu.memory_space<hbm>> -> memref<1x128x128xf32, #tpu.memory_space<hbm>>
    %dma_start3A_203 = tpu.memref_squeeze %dma_start3A_202 : memref<1x128x128xf32, #tpu.memory_space<hbm>> -> memref<128x128xf32, #tpu.memory_space<hbm>>
    %dma_start3A_204 = arith.constant 0 : i32
    %dma_start3A_205 = arith.constant 0 : i32
    %dma_start3A_206 = tpu.memref_slice %arg7[%dma_start3A_192, %dma_start3A_204, %dma_start3A_205] : memref<6x128x128xf32, #tpu.memory_space<vmem>> -> memref<1x128x128xf32, #tpu.memory_space<vmem>>
    %dma_start3A_207 = tpu.memref_squeeze %dma_start3A_206 : memref<1x128x128xf32, #tpu.memory_space<vmem>> -> memref<128x128xf32, #tpu.memory_space<vmem>>
    tpu.enqueue_dma source(%dma_start3A_207 : memref<128x128xf32, #tpu.memory_space<vmem>>) target(%dma_start3A_203 : memref<128x128xf32, #tpu.memory_space<hbm>>) target_semaphore(%arg17 : memref<!tpu.dma_semaphore, #tpu.memory_space<semaphore_mem>>)
    %dma_wait3A_208 = arith.constant 2 : i32
    %dma_wait3A_209 = arith.constant 0 : i32
    %dma_wait3A_210 = arith.constant 4 : i32
    %dma_wait3A_211 = arith.constant 0 : i32
    %dma_wait3A_212 = arith.constant 0 : i32
    %dma_wait3A_213 = tpu.memref_slice %arg7[%dma_wait3A_210, %dma_wait3A_211, %dma_wait3A_212] : memref<6x128x128xf32, #tpu.memory_space<vmem>> -> memref<1x128x128xf32, #tpu.memory_space<vmem>>
    %dma_wait3A_214 = tpu.memref_squeeze %dma_wait3A_213 : memref<1x128x128xf32, #tpu.memory_space<vmem>> -> memref<128x128xf32, #tpu.memory_space<vmem>>
    %dma_wait3A_215 = arith.constant 0 : i32
    %dma_wait3A_216 = tpu.memref_slice %arg6[%dma_wait3A_208, %dma_wait3A_209, %dma_wait3A_215] : memref<3x2x128xi32, #tpu.memory_space<vmem>> -> memref<1x1x128xi32, #tpu.memory_space<vmem>>
    %dma_wait3A_217 = tpu.memref_squeeze %dma_wait3A_216 : memref<1x1x128xi32, #tpu.memory_space<vmem>> -> memref<128xi32, #tpu.memory_space<vmem>>
    %dma_wait3A_218 = arith.constant 0 : i32
    %dma_wait3A_219 = arith.constant 0 : i32
    %dma_wait3A_220 = tpu.memref_slice %arg3[%dma_wait3A_218, %dma_wait3A_219] : memref<1000000x128xf32, #tpu.memory_space<hbm>> -> memref<1000000x128xf32, #tpu.memory_space<hbm>>
    tpu.wait_indirect_dma semaphore(%arg12 : memref<!tpu.dma_semaphore, #tpu.memory_space<semaphore_mem>>) src(%dma_wait3A_220 : memref<1000000x128xf32, #tpu.memory_space<hbm>>) dst(%dma_wait3A_214 : memref<128x128xf32, #tpu.memory_space<vmem>>)
    %add3A_221 = arith.constant 0 : i32
    %add3A_222 = arith.addi %mul3A_2, %add3A_221 : i32
    %dma_start3A_223 = arith.constant 4 : i32
    %dma_start3A_224 = arith.constant 2 : i32
    %dma_start3A_225 = arith.constant 0 : i32
    %dma_start3A_226 = arith.constant 0 : i32
    %dma_start3A_227 = tpu.memref_slice %arg7[%dma_start3A_223, %dma_start3A_225, %dma_start3A_226] : memref<6x128x128xf32, #tpu.memory_space<vmem>> -> memref<1x128x128xf32, #tpu.memory_space<vmem>>
    %dma_start3A_228 = tpu.memref_squeeze %dma_start3A_227 : memref<1x128x128xf32, #tpu.memory_space<vmem>> -> memref<128x128xf32, #tpu.memory_space<vmem>>
    %dma_start3A_229 = arith.constant 0 : i32
    %dma_start3A_230 = tpu.memref_slice %arg5[%dma_start3A_224, %add3A_222, %dma_start3A_229] : memref<3x8192x128xf32, #tpu.memory_space<hbm>> -> memref<1x128x128xf32, #tpu.memory_space<hbm>>
    %dma_start3A_231 = tpu.memref_squeeze %dma_start3A_230 : memref<1x128x128xf32, #tpu.memory_space<hbm>> -> memref<128x128xf32, #tpu.memory_space<hbm>>
    %dma_start3A_232 = arith.constant 0 : i32
    %dma_start3A_233 = tpu.memref_slice %arg5[%dma_start3A_224, %add3A_222, %dma_start3A_232] : memref<3x8192x128xf32, #tpu.memory_space<hbm>> -> memref<1x128x128xf32, #tpu.memory_space<hbm>>
    %dma_start3A_234 = tpu.memref_squeeze %dma_start3A_233 : memref<1x128x128xf32, #tpu.memory_space<hbm>> -> memref<128x128xf32, #tpu.memory_space<hbm>>
    %dma_start3A_235 = arith.constant 0 : i32
    %dma_start3A_236 = arith.constant 0 : i32
    %dma_start3A_237 = tpu.memref_slice %arg7[%dma_start3A_223, %dma_start3A_235, %dma_start3A_236] : memref<6x128x128xf32, #tpu.memory_space<vmem>> -> memref<1x128x128xf32, #tpu.memory_space<vmem>>
    %dma_start3A_238 = tpu.memref_squeeze %dma_start3A_237 : memref<1x128x128xf32, #tpu.memory_space<vmem>> -> memref<128x128xf32, #tpu.memory_space<vmem>>
    tpu.enqueue_dma source(%dma_start3A_238 : memref<128x128xf32, #tpu.memory_space<vmem>>) target(%dma_start3A_234 : memref<128x128xf32, #tpu.memory_space<hbm>>) target_semaphore(%arg18 : memref<!tpu.dma_semaphore, #tpu.memory_space<semaphore_mem>>)
    %dma_wait3A_239 = arith.constant 2 : i32
    %dma_wait3A_240 = arith.constant 1 : i32
    %dma_wait3A_241 = arith.constant 5 : i32
    %dma_wait3A_242 = arith.constant 0 : i32
    %dma_wait3A_243 = arith.constant 0 : i32
    %dma_wait3A_244 = tpu.memref_slice %arg7[%dma_wait3A_241, %dma_wait3A_242, %dma_wait3A_243] : memref<6x128x128xf32, #tpu.memory_space<vmem>> -> memref<1x128x128xf32, #tpu.memory_space<vmem>>
    %dma_wait3A_245 = tpu.memref_squeeze %dma_wait3A_244 : memref<1x128x128xf32, #tpu.memory_space<vmem>> -> memref<128x128xf32, #tpu.memory_space<vmem>>
    %dma_wait3A_246 = arith.constant 0 : i32
    %dma_wait3A_247 = tpu.memref_slice %arg6[%dma_wait3A_239, %dma_wait3A_240, %dma_wait3A_246] : memref<3x2x128xi32, #tpu.memory_space<vmem>> -> memref<1x1x128xi32, #tpu.memory_space<vmem>>
    %dma_wait3A_248 = tpu.memref_squeeze %dma_wait3A_247 : memref<1x1x128xi32, #tpu.memory_space<vmem>> -> memref<128xi32, #tpu.memory_space<vmem>>
    %dma_wait3A_249 = arith.constant 0 : i32
    %dma_wait3A_250 = arith.constant 0 : i32
    %dma_wait3A_251 = tpu.memref_slice %arg3[%dma_wait3A_249, %dma_wait3A_250] : memref<1000000x128xf32, #tpu.memory_space<hbm>> -> memref<1000000x128xf32, #tpu.memory_space<hbm>>
    tpu.wait_indirect_dma semaphore(%arg13 : memref<!tpu.dma_semaphore, #tpu.memory_space<semaphore_mem>>) src(%dma_wait3A_251 : memref<1000000x128xf32, #tpu.memory_space<hbm>>) dst(%dma_wait3A_245 : memref<128x128xf32, #tpu.memory_space<vmem>>)
    %add3A_252 = arith.constant 128 : i32
    %add3A_253 = arith.addi %mul3A_2, %add3A_252 : i32
    %dma_start3A_254 = arith.constant 5 : i32
    %dma_start3A_255 = arith.constant 2 : i32
    %dma_start3A_256 = arith.constant 0 : i32
    %dma_start3A_257 = arith.constant 0 : i32
    %dma_start3A_258 = tpu.memref_slice %arg7[%dma_start3A_254, %dma_start3A_256, %dma_start3A_257] : memref<6x128x128xf32, #tpu.memory_space<vmem>> -> memref<1x128x128xf32, #tpu.memory_space<vmem>>
    %dma_start3A_259 = tpu.memref_squeeze %dma_start3A_258 : memref<1x128x128xf32, #tpu.memory_space<vmem>> -> memref<128x128xf32, #tpu.memory_space<vmem>>
    %dma_start3A_260 = arith.constant 0 : i32
    %dma_start3A_261 = tpu.memref_slice %arg5[%dma_start3A_255, %add3A_253, %dma_start3A_260] : memref<3x8192x128xf32, #tpu.memory_space<hbm>> -> memref<1x128x128xf32, #tpu.memory_space<hbm>>
    %dma_start3A_262 = tpu.memref_squeeze %dma_start3A_261 : memref<1x128x128xf32, #tpu.memory_space<hbm>> -> memref<128x128xf32, #tpu.memory_space<hbm>>
    %dma_start3A_263 = arith.constant 0 : i32
    %dma_start3A_264 = tpu.memref_slice %arg5[%dma_start3A_255, %add3A_253, %dma_start3A_263] : memref<3x8192x128xf32, #tpu.memory_space<hbm>> -> memref<1x128x128xf32, #tpu.memory_space<hbm>>
    %dma_start3A_265 = tpu.memref_squeeze %dma_start3A_264 : memref<1x128x128xf32, #tpu.memory_space<hbm>> -> memref<128x128xf32, #tpu.memory_space<hbm>>
    %dma_start3A_266 = arith.constant 0 : i32
    %dma_start3A_267 = arith.constant 0 : i32
    %dma_start3A_268 = tpu.memref_slice %arg7[%dma_start3A_254, %dma_start3A_266, %dma_start3A_267] : memref<6x128x128xf32, #tpu.memory_space<vmem>> -> memref<1x128x128xf32, #tpu.memory_space<vmem>>
    %dma_start3A_269 = tpu.memref_squeeze %dma_start3A_268 : memref<1x128x128xf32, #tpu.memory_space<vmem>> -> memref<128x128xf32, #tpu.memory_space<vmem>>
    tpu.enqueue_dma source(%dma_start3A_269 : memref<128x128xf32, #tpu.memory_space<vmem>>) target(%dma_start3A_265 : memref<128x128xf32, #tpu.memory_space<hbm>>) target_semaphore(%arg19 : memref<!tpu.dma_semaphore, #tpu.memory_space<semaphore_mem>>)
    %dma_wait3A_270 = arith.constant 0 : i32
    %dma_wait3A_271 = arith.constant 0 : i32
    %dma_wait3A_272 = arith.constant 0 : i32
    %dma_wait3A_273 = arith.constant 0 : i32
    %dma_wait3A_274 = tpu.memref_slice %arg7[%dma_wait3A_270, %dma_wait3A_272, %dma_wait3A_273] : memref<6x128x128xf32, #tpu.memory_space<vmem>> -> memref<1x128x128xf32, #tpu.memory_space<vmem>>
    %dma_wait3A_275 = tpu.memref_squeeze %dma_wait3A_274 : memref<1x128x128xf32, #tpu.memory_space<vmem>> -> memref<128x128xf32, #tpu.memory_space<vmem>>
    %dma_wait3A_276 = arith.constant 0 : i32
    %dma_wait3A_277 = tpu.memref_slice %arg5[%dma_wait3A_271, %add3A_98, %dma_wait3A_276] : memref<3x8192x128xf32, #tpu.memory_space<hbm>> -> memref<1x128x128xf32, #tpu.memory_space<hbm>>
    %dma_wait3A_278 = tpu.memref_squeeze %dma_wait3A_277 : memref<1x128x128xf32, #tpu.memory_space<hbm>> -> memref<128x128xf32, #tpu.memory_space<hbm>>
    %dma_wait3A_279 = arith.constant 0 : i32
    %dma_wait3A_280 = tpu.memref_slice %arg5[%dma_wait3A_271, %add3A_98, %dma_wait3A_279] : memref<3x8192x128xf32, #tpu.memory_space<hbm>> -> memref<1x128x128xf32, #tpu.memory_space<hbm>>
    %dma_wait3A_281 = tpu.memref_squeeze %dma_wait3A_280 : memref<1x128x128xf32, #tpu.memory_space<hbm>> -> memref<128x128xf32, #tpu.memory_space<hbm>>
    %dma_wait3A_282 = arith.constant 0 : i32
    %dma_wait3A_283 = arith.constant 0 : i32
    %dma_wait3A_284 = tpu.memref_slice %arg7[%dma_wait3A_270, %dma_wait3A_282, %dma_wait3A_283] : memref<6x128x128xf32, #tpu.memory_space<vmem>> -> memref<1x128x128xf32, #tpu.memory_space<vmem>>
    %dma_wait3A_285 = tpu.memref_squeeze %dma_wait3A_284 : memref<1x128x128xf32, #tpu.memory_space<vmem>> -> memref<128x128xf32, #tpu.memory_space<vmem>>
    tpu.wait_dma2 semaphore(%arg14 : memref<!tpu.dma_semaphore, #tpu.memory_space<semaphore_mem>>) src(%dma_wait3A_285 : memref<128x128xf32, #tpu.memory_space<vmem>>) dst(%dma_wait3A_281 : memref<128x128xf32, #tpu.memory_space<hbm>>)
    %dma_wait3A_286 = arith.constant 1 : i32
    %dma_wait3A_287 = arith.constant 0 : i32
    %dma_wait3A_288 = arith.constant 0 : i32
    %dma_wait3A_289 = arith.constant 0 : i32
    %dma_wait3A_290 = tpu.memref_slice %arg7[%dma_wait3A_286, %dma_wait3A_288, %dma_wait3A_289] : memref<6x128x128xf32, #tpu.memory_space<vmem>> -> memref<1x128x128xf32, #tpu.memory_space<vmem>>
    %dma_wait3A_291 = tpu.memref_squeeze %dma_wait3A_290 : memref<1x128x128xf32, #tpu.memory_space<vmem>> -> memref<128x128xf32, #tpu.memory_space<vmem>>
    %dma_wait3A_292 = arith.constant 0 : i32
    %dma_wait3A_293 = tpu.memref_slice %arg5[%dma_wait3A_287, %add3A_129, %dma_wait3A_292] : memref<3x8192x128xf32, #tpu.memory_space<hbm>> -> memref<1x128x128xf32, #tpu.memory_space<hbm>>
    %dma_wait3A_294 = tpu.memref_squeeze %dma_wait3A_293 : memref<1x128x128xf32, #tpu.memory_space<hbm>> -> memref<128x128xf32, #tpu.memory_space<hbm>>
    %dma_wait3A_295 = arith.constant 0 : i32
    %dma_wait3A_296 = tpu.memref_slice %arg5[%dma_wait3A_287, %add3A_129, %dma_wait3A_295] : memref<3x8192x128xf32, #tpu.memory_space<hbm>> -> memref<1x128x128xf32, #tpu.memory_space<hbm>>
    %dma_wait3A_297 = tpu.memref_squeeze %dma_wait3A_296 : memref<1x128x128xf32, #tpu.memory_space<hbm>> -> memref<128x128xf32, #tpu.memory_space<hbm>>
    %dma_wait3A_298 = arith.constant 0 : i32
    %dma_wait3A_299 = arith.constant 0 : i32
    %dma_wait3A_300 = tpu.memref_slice %arg7[%dma_wait3A_286, %dma_wait3A_298, %dma_wait3A_299] : memref<6x128x128xf32, #tpu.memory_space<vmem>> -> memref<1x128x128xf32, #tpu.memory_space<vmem>>
    %dma_wait3A_301 = tpu.memref_squeeze %dma_wait3A_300 : memref<1x128x128xf32, #tpu.memory_space<vmem>> -> memref<128x128xf32, #tpu.memory_space<vmem>>
    tpu.wait_dma2 semaphore(%arg15 : memref<!tpu.dma_semaphore, #tpu.memory_space<semaphore_mem>>) src(%dma_wait3A_301 : memref<128x128xf32, #tpu.memory_space<vmem>>) dst(%dma_wait3A_297 : memref<128x128xf32, #tpu.memory_space<hbm>>)
    %dma_wait3A_302 = arith.constant 2 : i32
    %dma_wait3A_303 = arith.constant 1 : i32
    %dma_wait3A_304 = arith.constant 0 : i32
    %dma_wait3A_305 = arith.constant 0 : i32
    %dma_wait3A_306 = tpu.memref_slice %arg7[%dma_wait3A_302, %dma_wait3A_304, %dma_wait3A_305] : memref<6x128x128xf32, #tpu.memory_space<vmem>> -> memref<1x128x128xf32, #tpu.memory_space<vmem>>
    %dma_wait3A_307 = tpu.memref_squeeze %dma_wait3A_306 : memref<1x128x128xf32, #tpu.memory_space<vmem>> -> memref<128x128xf32, #tpu.memory_space<vmem>>
    %dma_wait3A_308 = arith.constant 0 : i32
    %dma_wait3A_309 = tpu.memref_slice %arg5[%dma_wait3A_303, %add3A_160, %dma_wait3A_308] : memref<3x8192x128xf32, #tpu.memory_space<hbm>> -> memref<1x128x128xf32, #tpu.memory_space<hbm>>
    %dma_wait3A_310 = tpu.memref_squeeze %dma_wait3A_309 : memref<1x128x128xf32, #tpu.memory_space<hbm>> -> memref<128x128xf32, #tpu.memory_space<hbm>>
    %dma_wait3A_311 = arith.constant 0 : i32
    %dma_wait3A_312 = tpu.memref_slice %arg5[%dma_wait3A_303, %add3A_160, %dma_wait3A_311] : memref<3x8192x128xf32, #tpu.memory_space<hbm>> -> memref<1x128x128xf32, #tpu.memory_space<hbm>>
    %dma_wait3A_313 = tpu.memref_squeeze %dma_wait3A_312 : memref<1x128x128xf32, #tpu.memory_space<hbm>> -> memref<128x128xf32, #tpu.memory_space<hbm>>
    %dma_wait3A_314 = arith.constant 0 : i32
    %dma_wait3A_315 = arith.constant 0 : i32
    %dma_wait3A_316 = tpu.memref_slice %arg7[%dma_wait3A_302, %dma_wait3A_314, %dma_wait3A_315] : memref<6x128x128xf32, #tpu.memory_space<vmem>> -> memref<1x128x128xf32, #tpu.memory_space<vmem>>
    %dma_wait3A_317 = tpu.memref_squeeze %dma_wait3A_316 : memref<1x128x128xf32, #tpu.memory_space<vmem>> -> memref<128x128xf32, #tpu.memory_space<vmem>>
    tpu.wait_dma2 semaphore(%arg16 : memref<!tpu.dma_semaphore, #tpu.memory_space<semaphore_mem>>) src(%dma_wait3A_317 : memref<128x128xf32, #tpu.memory_space<vmem>>) dst(%dma_wait3A_313 : memref<128x128xf32, #tpu.memory_space<hbm>>)
    %dma_wait3A_318 = arith.constant 3 : i32
    %dma_wait3A_319 = arith.constant 1 : i32
    %dma_wait3A_320 = arith.constant 0 : i32
    %dma_wait3A_321 = arith.constant 0 : i32
    %dma_wait3A_322 = tpu.memref_slice %arg7[%dma_wait3A_318, %dma_wait3A_320, %dma_wait3A_321] : memref<6x128x128xf32, #tpu.memory_space<vmem>> -> memref<1x128x128xf32, #tpu.memory_space<vmem>>
    %dma_wait3A_323 = tpu.memref_squeeze %dma_wait3A_322 : memref<1x128x128xf32, #tpu.memory_space<vmem>> -> memref<128x128xf32, #tpu.memory_space<vmem>>
    %dma_wait3A_324 = arith.constant 0 : i32
    %dma_wait3A_325 = tpu.memref_slice %arg5[%dma_wait3A_319, %add3A_191, %dma_wait3A_324] : memref<3x8192x128xf32, #tpu.memory_space<hbm>> -> memref<1x128x128xf32, #tpu.memory_space<hbm>>
    %dma_wait3A_326 = tpu.memref_squeeze %dma_wait3A_325 : memref<1x128x128xf32, #tpu.memory_space<hbm>> -> memref<128x128xf32, #tpu.memory_space<hbm>>
    %dma_wait3A_327 = arith.constant 0 : i32
    %dma_wait3A_328 = tpu.memref_slice %arg5[%dma_wait3A_319, %add3A_191, %dma_wait3A_327] : memref<3x8192x128xf32, #tpu.memory_space<hbm>> -> memref<1x128x128xf32, #tpu.memory_space<hbm>>
    %dma_wait3A_329 = tpu.memref_squeeze %dma_wait3A_328 : memref<1x128x128xf32, #tpu.memory_space<hbm>> -> memref<128x128xf32, #tpu.memory_space<hbm>>
    %dma_wait3A_330 = arith.constant 0 : i32
    %dma_wait3A_331 = arith.constant 0 : i32
    %dma_wait3A_332 = tpu.memref_slice %arg7[%dma_wait3A_318, %dma_wait3A_330, %dma_wait3A_331] : memref<6x128x128xf32, #tpu.memory_space<vmem>> -> memref<1x128x128xf32, #tpu.memory_space<vmem>>
    %dma_wait3A_333 = tpu.memref_squeeze %dma_wait3A_332 : memref<1x128x128xf32, #tpu.memory_space<vmem>> -> memref<128x128xf32, #tpu.memory_space<vmem>>
    tpu.wait_dma2 semaphore(%arg17 : memref<!tpu.dma_semaphore, #tpu.memory_space<semaphore_mem>>) src(%dma_wait3A_333 : memref<128x128xf32, #tpu.memory_space<vmem>>) dst(%dma_wait3A_329 : memref<128x128xf32, #tpu.memory_space<hbm>>)
    %dma_wait3A_334 = arith.constant 4 : i32
    %dma_wait3A_335 = arith.constant 2 : i32
    %dma_wait3A_336 = arith.constant 0 : i32
    %dma_wait3A_337 = arith.constant 0 : i32
    %dma_wait3A_338 = tpu.memref_slice %arg7[%dma_wait3A_334, %dma_wait3A_336, %dma_wait3A_337] : memref<6x128x128xf32, #tpu.memory_space<vmem>> -> memref<1x128x128xf32, #tpu.memory_space<vmem>>
    %dma_wait3A_339 = tpu.memref_squeeze %dma_wait3A_338 : memref<1x128x128xf32, #tpu.memory_space<vmem>> -> memref<128x128xf32, #tpu.memory_space<vmem>>
    %dma_wait3A_340 = arith.constant 0 : i32
    %dma_wait3A_341 = tpu.memref_slice %arg5[%dma_wait3A_335, %add3A_222, %dma_wait3A_340] : memref<3x8192x128xf32, #tpu.memory_space<hbm>> -> memref<1x128x128xf32, #tpu.memory_space<hbm>>
    %dma_wait3A_342 = tpu.memref_squeeze %dma_wait3A_341 : memref<1x128x128xf32, #tpu.memory_space<hbm>> -> memref<128x128xf32, #tpu.memory_space<hbm>>
    %dma_wait3A_343 = arith.constant 0 : i32
    %dma_wait3A_344 = tpu.memref_slice %arg5[%dma_wait3A_335, %add3A_222, %dma_wait3A_343] : memref<3x8192x128xf32, #tpu.memory_space<hbm>> -> memref<1x128x128xf32, #tpu.memory_space<hbm>>
    %dma_wait3A_345 = tpu.memref_squeeze %dma_wait3A_344 : memref<1x128x128xf32, #tpu.memory_space<hbm>> -> memref<128x128xf32, #tpu.memory_space<hbm>>
    %dma_wait3A_346 = arith.constant 0 : i32
    %dma_wait3A_347 = arith.constant 0 : i32
    %dma_wait3A_348 = tpu.memref_slice %arg7[%dma_wait3A_334, %dma_wait3A_346, %dma_wait3A_347] : memref<6x128x128xf32, #tpu.memory_space<vmem>> -> memref<1x128x128xf32, #tpu.memory_space<vmem>>
    %dma_wait3A_349 = tpu.memref_squeeze %dma_wait3A_348 : memref<1x128x128xf32, #tpu.memory_space<vmem>> -> memref<128x128xf32, #tpu.memory_space<vmem>>
    tpu.wait_dma2 semaphore(%arg18 : memref<!tpu.dma_semaphore, #tpu.memory_space<semaphore_mem>>) src(%dma_wait3A_349 : memref<128x128xf32, #tpu.memory_space<vmem>>) dst(%dma_wait3A_345 : memref<128x128xf32, #tpu.memory_space<hbm>>)
    %dma_wait3A_350 = arith.constant 5 : i32
    %dma_wait3A_351 = arith.constant 2 : i32
    %dma_wait3A_352 = arith.constant 0 : i32
    %dma_wait3A_353 = arith.constant 0 : i32
    %dma_wait3A_354 = tpu.memref_slice %arg7[%dma_wait3A_350, %dma_wait3A_352, %dma_wait3A_353] : memref<6x128x128xf32, #tpu.memory_space<vmem>> -> memref<1x128x128xf32, #tpu.memory_space<vmem>>
    %dma_wait3A_355 = tpu.memref_squeeze %dma_wait3A_354 : memref<1x128x128xf32, #tpu.memory_space<vmem>> -> memref<128x128xf32, #tpu.memory_space<vmem>>
    %dma_wait3A_356 = arith.constant 0 : i32
    %dma_wait3A_357 = tpu.memref_slice %arg5[%dma_wait3A_351, %add3A_253, %dma_wait3A_356] : memref<3x8192x128xf32, #tpu.memory_space<hbm>> -> memref<1x128x128xf32, #tpu.memory_space<hbm>>
    %dma_wait3A_358 = tpu.memref_squeeze %dma_wait3A_357 : memref<1x128x128xf32, #tpu.memory_space<hbm>> -> memref<128x128xf32, #tpu.memory_space<hbm>>
    %dma_wait3A_359 = arith.constant 0 : i32
    %dma_wait3A_360 = tpu.memref_slice %arg5[%dma_wait3A_351, %add3A_253, %dma_wait3A_359] : memref<3x8192x128xf32, #tpu.memory_space<hbm>> -> memref<1x128x128xf32, #tpu.memory_space<hbm>>
    %dma_wait3A_361 = tpu.memref_squeeze %dma_wait3A_360 : memref<1x128x128xf32, #tpu.memory_space<hbm>> -> memref<128x128xf32, #tpu.memory_space<hbm>>
    %dma_wait3A_362 = arith.constant 0 : i32
    %dma_wait3A_363 = arith.constant 0 : i32
    %dma_wait3A_364 = tpu.memref_slice %arg7[%dma_wait3A_350, %dma_wait3A_362, %dma_wait3A_363] : memref<6x128x128xf32, #tpu.memory_space<vmem>> -> memref<1x128x128xf32, #tpu.memory_space<vmem>>
    %dma_wait3A_365 = tpu.memref_squeeze %dma_wait3A_364 : memref<1x128x128xf32, #tpu.memory_space<vmem>> -> memref<128x128xf32, #tpu.memory_space<vmem>>
    tpu.wait_dma2 semaphore(%arg19 : memref<!tpu.dma_semaphore, #tpu.memory_space<semaphore_mem>>) src(%dma_wait3A_365 : memref<128x128xf32, #tpu.memory_space<vmem>>) dst(%dma_wait3A_361 : memref<128x128xf32, #tpu.memory_space<hbm>>)
    return
  }
}

#map = affine_map<(d0, d1) -> (0, 0, 0, 0)>
#map1 = affine_map<(d0, d1) -> (0, 0)>
#map2 = affine_map<(d0, d1) -> (0, 0, 0)>
module attributes {stable_mosaic.version = 14 : i64} {
  func.func @_sc_gather_body(%arg0: i32, %arg1: i32, %arg2: memref<3x32x2x128xi32, #tpu.memory_space<hbm>>, %arg3: memref<1000000x128xf32, #tpu.memory_space<hbm>>, %arg4: memref<1000000x128xf32, #tpu.memory_space<hbm>>, %arg5: memref<3x8192x128xf32, #tpu.memory_space<hbm>>, %arg6: memref<3x2x128xi32, #tpu.memory_space<vmem>>, %arg7: memref<6x128x128xf32, #tpu.memory_space<vmem>>, %arg8: memref<!tpu.dma_semaphore, #tpu.memory_space<semaphore_mem>>, %arg9: memref<!tpu.dma_semaphore, #tpu.memory_space<semaphore_mem>>, %arg10: memref<!tpu.dma_semaphore, #tpu.memory_space<semaphore_mem>>, %arg11: memref<!tpu.dma_semaphore, #tpu.memory_space<semaphore_mem>>, %arg12: memref<!tpu.dma_semaphore, #tpu.memory_space<semaphore_mem>>, %arg13: memref<!tpu.dma_semaphore, #tpu.memory_space<semaphore_mem>>, %arg14: memref<!tpu.dma_semaphore, #tpu.memory_space<semaphore_mem>>, %arg15: memref<!tpu.dma_semaphore, #tpu.memory_space<semaphore_mem>>, %arg16: memref<!tpu.dma_semaphore, #tpu.memory_space<semaphore_mem>>, %arg17: memref<!tpu.dma_semaphore, #tpu.memory_space<semaphore_mem>>, %arg18: memref<!tpu.dma_semaphore, #tpu.memory_space<semaphore_mem>>, %arg19: memref<!tpu.dma_semaphore, #tpu.memory_space<semaphore_mem>>) attributes {dimension_semantics = [#tpu.dimension_semantics<core_parallel>, #tpu.dimension_semantics<subcore_parallel>], iteration_bounds = array<i64: 2, 16>, scalar_prefetch = 0 : i64, scratch_operands = 14 : i64, tpu.core_type = #tpu.core_type<sc_vector_subcore>, window_params = [{transform_indices = #map}, {transform_indices = #map1}, {transform_indices = #map1}, {transform_indices = #map2}]} {
    %mul3A = arith.constant 2 : i32
    %mul3A_0 = arith.muli %arg1, %mul3A : i32
    %add3A = arith.addi %mul3A_0, %arg0 : i32
    %mul3A_1 = arith.constant 256 : i32
    %mul3A_2 = arith.muli %add3A, %mul3A_1 : i32
    %run_scoped3A = arith.constant 0 : i32
    %run_scoped3A_3 = arith.constant 0 : i32
    "tpu.region"() ({
      %run_scoped3A_366 = tpu.sem_alloc : memref<!tpu.dma_semaphore, #tpu.memory_space<semaphore_mem>>
      %dma_start3A_367 = arith.constant 0 : i32
      %dma_start3A_368 = arith.constant 0 : i32
      %dma_start3A_369 = tpu.memref_slice %arg6[%run_scoped3A_3, %dma_start3A_367, %dma_start3A_368] : memref<3x2x128xi32, #tpu.memory_space<vmem>> -> memref<1x2x128xi32, #tpu.memory_space<vmem>>
      %dma_start3A_370 = tpu.memref_squeeze %dma_start3A_369 : memref<1x2x128xi32, #tpu.memory_space<vmem>> -> memref<2x128xi32, #tpu.memory_space<vmem>>
      %dma_start3A_371 = arith.constant 0 : i32
      %dma_start3A_372 = arith.constant 0 : i32
      %dma_start3A_373 = tpu.memref_slice %arg2[%run_scoped3A, %add3A, %dma_start3A_371, %dma_start3A_372] : memref<3x32x2x128xi32, #tpu.memory_space<hbm>> -> memref<1x1x2x128xi32, #tpu.memory_space<hbm>>
      %dma_start3A_374 = tpu.memref_squeeze %dma_start3A_373 : memref<1x1x2x128xi32, #tpu.memory_space<hbm>> -> memref<2x128xi32, #tpu.memory_space<hbm>>
      %dma_start3A_375 = arith.constant 0 : i32
      %dma_start3A_376 = arith.constant 0 : i32
      %dma_start3A_377 = tpu.memref_slice %arg6[%run_scoped3A_3, %dma_start3A_375, %dma_start3A_376] : memref<3x2x128xi32, #tpu.memory_space<vmem>> -> memref<1x2x128xi32, #tpu.memory_space<vmem>>
      %dma_start3A_378 = tpu.memref_squeeze %dma_start3A_377 : memref<1x2x128xi32, #tpu.memory_space<vmem>> -> memref<2x128xi32, #tpu.memory_space<vmem>>
      %dma_start3A_379 = arith.constant 0 : i32
      %dma_start3A_380 = arith.constant 0 : i32
      %dma_start3A_381 = tpu.memref_slice %arg2[%run_scoped3A, %add3A, %dma_start3A_379, %dma_start3A_380] : memref<3x32x2x128xi32, #tpu.memory_space<hbm>> -> memref<1x1x2x128xi32, #tpu.memory_space<hbm>>
      %dma_start3A_382 = tpu.memref_squeeze %dma_start3A_381 : memref<1x1x2x128xi32, #tpu.memory_space<hbm>> -> memref<2x128xi32, #tpu.memory_space<hbm>>
      tpu.enqueue_dma source(%dma_start3A_382 : memref<2x128xi32, #tpu.memory_space<hbm>>) target(%dma_start3A_378 : memref<2x128xi32, #tpu.memory_space<vmem>>) target_semaphore(%run_scoped3A_366 : memref<!tpu.dma_semaphore, #tpu.memory_space<semaphore_mem>>)
      %dma_wait3A_383 = arith.constant 0 : i32
      %dma_wait3A_384 = arith.constant 0 : i32
      %dma_wait3A_385 = tpu.memref_slice %arg6[%run_scoped3A_3, %dma_wait3A_383, %dma_wait3A_384] : memref<3x2x128xi32, #tpu.memory_space<vmem>> -> memref<1x2x128xi32, #tpu.memory_space<vmem>>
      %dma_wait3A_386 = tpu.memref_squeeze %dma_wait3A_385 : memref<1x2x128xi32, #tpu.memory_space<vmem>> -> memref<2x128xi32, #tpu.memory_space<vmem>>
      %dma_wait3A_387 = arith.constant 0 : i32
      %dma_wait3A_388 = arith.constant 0 : i32
      %dma_wait3A_389 = tpu.memref_slice %arg2[%run_scoped3A, %add3A, %dma_wait3A_387, %dma_wait3A_388] : memref<3x32x2x128xi32, #tpu.memory_space<hbm>> -> memref<1x1x2x128xi32, #tpu.memory_space<hbm>>
      %dma_wait3A_390 = tpu.memref_squeeze %dma_wait3A_389 : memref<1x1x2x128xi32, #tpu.memory_space<hbm>> -> memref<2x128xi32, #tpu.memory_space<hbm>>
      %dma_wait3A_391 = arith.constant 0 : i32
      %dma_wait3A_392 = arith.constant 0 : i32
      %dma_wait3A_393 = tpu.memref_slice %arg6[%run_scoped3A_3, %dma_wait3A_391, %dma_wait3A_392] : memref<3x2x128xi32, #tpu.memory_space<vmem>> -> memref<1x2x128xi32, #tpu.memory_space<vmem>>
      %dma_wait3A_394 = tpu.memref_squeeze %dma_wait3A_393 : memref<1x2x128xi32, #tpu.memory_space<vmem>> -> memref<2x128xi32, #tpu.memory_space<vmem>>
      %dma_wait3A_395 = arith.constant 0 : i32
      %dma_wait3A_396 = arith.constant 0 : i32
      %dma_wait3A_397 = tpu.memref_slice %arg2[%run_scoped3A, %add3A, %dma_wait3A_395, %dma_wait3A_396] : memref<3x32x2x128xi32, #tpu.memory_space<hbm>> -> memref<1x1x2x128xi32, #tpu.memory_space<hbm>>
      %dma_wait3A_398 = tpu.memref_squeeze %dma_wait3A_397 : memref<1x1x2x128xi32, #tpu.memory_space<hbm>> -> memref<2x128xi32, #tpu.memory_space<hbm>>
      tpu.wait_dma2 semaphore(%run_scoped3A_366 : memref<!tpu.dma_semaphore, #tpu.memory_space<semaphore_mem>>) src(%dma_wait3A_398 : memref<2x128xi32, #tpu.memory_space<hbm>>) dst(%dma_wait3A_394 : memref<2x128xi32, #tpu.memory_space<vmem>>)
      tpu.yield
    }) : () -> ()
    %run_scoped3A_4 = arith.constant 1 : i32
    %run_scoped3A_5 = arith.constant 1 : i32
    "tpu.region"() ({
      %run_scoped3A_366 = tpu.sem_alloc : memref<!tpu.dma_semaphore, #tpu.memory_space<semaphore_mem>>
      %dma_start3A_367 = arith.constant 0 : i32
      %dma_start3A_368 = arith.constant 0 : i32
      %dma_start3A_369 = tpu.memref_slice %arg6[%run_scoped3A_5, %dma_start3A_367, %dma_start3A_368] : memref<3x2x128xi32, #tpu.memory_space<vmem>> -> memref<1x2x128xi32, #tpu.memory_space<vmem>>
      %dma_start3A_370 = tpu.memref_squeeze %dma_start3A_369 : memref<1x2x128xi32, #tpu.memory_space<vmem>> -> memref<2x128xi32, #tpu.memory_space<vmem>>
      %dma_start3A_371 = arith.constant 0 : i32
      %dma_start3A_372 = arith.constant 0 : i32
      %dma_start3A_373 = tpu.memref_slice %arg2[%run_scoped3A_4, %add3A, %dma_start3A_371, %dma_start3A_372] : memref<3x32x2x128xi32, #tpu.memory_space<hbm>> -> memref<1x1x2x128xi32, #tpu.memory_space<hbm>>
      %dma_start3A_374 = tpu.memref_squeeze %dma_start3A_373 : memref<1x1x2x128xi32, #tpu.memory_space<hbm>> -> memref<2x128xi32, #tpu.memory_space<hbm>>
      %dma_start3A_375 = arith.constant 0 : i32
      %dma_start3A_376 = arith.constant 0 : i32
      %dma_start3A_377 = tpu.memref_slice %arg6[%run_scoped3A_5, %dma_start3A_375, %dma_start3A_376] : memref<3x2x128xi32, #tpu.memory_space<vmem>> -> memref<1x2x128xi32, #tpu.memory_space<vmem>>
      %dma_start3A_378 = tpu.memref_squeeze %dma_start3A_377 : memref<1x2x128xi32, #tpu.memory_space<vmem>> -> memref<2x128xi32, #tpu.memory_space<vmem>>
      %dma_start3A_379 = arith.constant 0 : i32
      %dma_start3A_380 = arith.constant 0 : i32
      %dma_start3A_381 = tpu.memref_slice %arg2[%run_scoped3A_4, %add3A, %dma_start3A_379, %dma_start3A_380] : memref<3x32x2x128xi32, #tpu.memory_space<hbm>> -> memref<1x1x2x128xi32, #tpu.memory_space<hbm>>
      %dma_start3A_382 = tpu.memref_squeeze %dma_start3A_381 : memref<1x1x2x128xi32, #tpu.memory_space<hbm>> -> memref<2x128xi32, #tpu.memory_space<hbm>>
      tpu.enqueue_dma source(%dma_start3A_382 : memref<2x128xi32, #tpu.memory_space<hbm>>) target(%dma_start3A_378 : memref<2x128xi32, #tpu.memory_space<vmem>>) target_semaphore(%run_scoped3A_366 : memref<!tpu.dma_semaphore, #tpu.memory_space<semaphore_mem>>)
      %dma_wait3A_383 = arith.constant 0 : i32
      %dma_wait3A_384 = arith.constant 0 : i32
      %dma_wait3A_385 = tpu.memref_slice %arg6[%run_scoped3A_5, %dma_wait3A_383, %dma_wait3A_384] : memref<3x2x128xi32, #tpu.memory_space<vmem>> -> memref<1x2x128xi32, #tpu.memory_space<vmem>>
      %dma_wait3A_386 = tpu.memref_squeeze %dma_wait3A_385 : memref<1x2x128xi32, #tpu.memory_space<vmem>> -> memref<2x128xi32, #tpu.memory_space<vmem>>
      %dma_wait3A_387 = arith.constant 0 : i32
      %dma_wait3A_388 = arith.constant 0 : i32
      %dma_wait3A_389 = tpu.memref_slice %arg2[%run_scoped3A_4, %add3A, %dma_wait3A_387, %dma_wait3A_388] : memref<3x32x2x128xi32, #tpu.memory_space<hbm>> -> memref<1x1x2x128xi32, #tpu.memory_space<hbm>>
      %dma_wait3A_390 = tpu.memref_squeeze %dma_wait3A_389 : memref<1x1x2x128xi32, #tpu.memory_space<hbm>> -> memref<2x128xi32, #tpu.memory_space<hbm>>
      %dma_wait3A_391 = arith.constant 0 : i32
      %dma_wait3A_392 = arith.constant 0 : i32
      %dma_wait3A_393 = tpu.memref_slice %arg6[%run_scoped3A_5, %dma_wait3A_391, %dma_wait3A_392] : memref<3x2x128xi32, #tpu.memory_space<vmem>> -> memref<1x2x128xi32, #tpu.memory_space<vmem>>
      %dma_wait3A_394 = tpu.memref_squeeze %dma_wait3A_393 : memref<1x2x128xi32, #tpu.memory_space<vmem>> -> memref<2x128xi32, #tpu.memory_space<vmem>>
      %dma_wait3A_395 = arith.constant 0 : i32
      %dma_wait3A_396 = arith.constant 0 : i32
      %dma_wait3A_397 = tpu.memref_slice %arg2[%run_scoped3A_4, %add3A, %dma_wait3A_395, %dma_wait3A_396] : memref<3x32x2x128xi32, #tpu.memory_space<hbm>> -> memref<1x1x2x128xi32, #tpu.memory_space<hbm>>
      %dma_wait3A_398 = tpu.memref_squeeze %dma_wait3A_397 : memref<1x1x2x128xi32, #tpu.memory_space<hbm>> -> memref<2x128xi32, #tpu.memory_space<hbm>>
      tpu.wait_dma2 semaphore(%run_scoped3A_366 : memref<!tpu.dma_semaphore, #tpu.memory_space<semaphore_mem>>) src(%dma_wait3A_398 : memref<2x128xi32, #tpu.memory_space<hbm>>) dst(%dma_wait3A_394 : memref<2x128xi32, #tpu.memory_space<vmem>>)
      tpu.yield
    }) : () -> ()
    %run_scoped3A_6 = arith.constant 2 : i32
    %run_scoped3A_7 = arith.constant 2 : i32
    "tpu.region"() ({
      %run_scoped3A_366 = tpu.sem_alloc : memref<!tpu.dma_semaphore, #tpu.memory_space<semaphore_mem>>
      %dma_start3A_367 = arith.constant 0 : i32
      %dma_start3A_368 = arith.constant 0 : i32
      %dma_start3A_369 = tpu.memref_slice %arg6[%run_scoped3A_7, %dma_start3A_367, %dma_start3A_368] : memref<3x2x128xi32, #tpu.memory_space<vmem>> -> memref<1x2x128xi32, #tpu.memory_space<vmem>>
      %dma_start3A_370 = tpu.memref_squeeze %dma_start3A_369 : memref<1x2x128xi32, #tpu.memory_space<vmem>> -> memref<2x128xi32, #tpu.memory_space<vmem>>
      %dma_start3A_371 = arith.constant 0 : i32
      %dma_start3A_372 = arith.constant 0 : i32
      %dma_start3A_373 = tpu.memref_slice %arg2[%run_scoped3A_6, %add3A, %dma_start3A_371, %dma_start3A_372] : memref<3x32x2x128xi32, #tpu.memory_space<hbm>> -> memref<1x1x2x128xi32, #tpu.memory_space<hbm>>
      %dma_start3A_374 = tpu.memref_squeeze %dma_start3A_373 : memref<1x1x2x128xi32, #tpu.memory_space<hbm>> -> memref<2x128xi32, #tpu.memory_space<hbm>>
      %dma_start3A_375 = arith.constant 0 : i32
      %dma_start3A_376 = arith.constant 0 : i32
      %dma_start3A_377 = tpu.memref_slice %arg6[%run_scoped3A_7, %dma_start3A_375, %dma_start3A_376] : memref<3x2x128xi32, #tpu.memory_space<vmem>> -> memref<1x2x128xi32, #tpu.memory_space<vmem>>
      %dma_start3A_378 = tpu.memref_squeeze %dma_start3A_377 : memref<1x2x128xi32, #tpu.memory_space<vmem>> -> memref<2x128xi32, #tpu.memory_space<vmem>>
      %dma_start3A_379 = arith.constant 0 : i32
      %dma_start3A_380 = arith.constant 0 : i32
      %dma_start3A_381 = tpu.memref_slice %arg2[%run_scoped3A_6, %add3A, %dma_start3A_379, %dma_start3A_380] : memref<3x32x2x128xi32, #tpu.memory_space<hbm>> -> memref<1x1x2x128xi32, #tpu.memory_space<hbm>>
      %dma_start3A_382 = tpu.memref_squeeze %dma_start3A_381 : memref<1x1x2x128xi32, #tpu.memory_space<hbm>> -> memref<2x128xi32, #tpu.memory_space<hbm>>
      tpu.enqueue_dma source(%dma_start3A_382 : memref<2x128xi32, #tpu.memory_space<hbm>>) target(%dma_start3A_378 : memref<2x128xi32, #tpu.memory_space<vmem>>) target_semaphore(%run_scoped3A_366 : memref<!tpu.dma_semaphore, #tpu.memory_space<semaphore_mem>>)
      %dma_wait3A_383 = arith.constant 0 : i32
      %dma_wait3A_384 = arith.constant 0 : i32
      %dma_wait3A_385 = tpu.memref_slice %arg6[%run_scoped3A_7, %dma_wait3A_383, %dma_wait3A_384] : memref<3x2x128xi32, #tpu.memory_space<vmem>> -> memref<1x2x128xi32, #tpu.memory_space<vmem>>
      %dma_wait3A_386 = tpu.memref_squeeze %dma_wait3A_385 : memref<1x2x128xi32, #tpu.memory_space<vmem>> -> memref<2x128xi32, #tpu.memory_space<vmem>>
      %dma_wait3A_387 = arith.constant 0 : i32
      %dma_wait3A_388 = arith.constant 0 : i32
      %dma_wait3A_389 = tpu.memref_slice %arg2[%run_scoped3A_6, %add3A, %dma_wait3A_387, %dma_wait3A_388] : memref<3x32x2x128xi32, #tpu.memory_space<hbm>> -> memref<1x1x2x128xi32, #tpu.memory_space<hbm>>
      %dma_wait3A_390 = tpu.memref_squeeze %dma_wait3A_389 : memref<1x1x2x128xi32, #tpu.memory_space<hbm>> -> memref<2x128xi32, #tpu.memory_space<hbm>>
      %dma_wait3A_391 = arith.constant 0 : i32
      %dma_wait3A_392 = arith.constant 0 : i32
      %dma_wait3A_393 = tpu.memref_slice %arg6[%run_scoped3A_7, %dma_wait3A_391, %dma_wait3A_392] : memref<3x2x128xi32, #tpu.memory_space<vmem>> -> memref<1x2x128xi32, #tpu.memory_space<vmem>>
      %dma_wait3A_394 = tpu.memref_squeeze %dma_wait3A_393 : memref<1x2x128xi32, #tpu.memory_space<vmem>> -> memref<2x128xi32, #tpu.memory_space<vmem>>
      %dma_wait3A_395 = arith.constant 0 : i32
      %dma_wait3A_396 = arith.constant 0 : i32
      %dma_wait3A_397 = tpu.memref_slice %arg2[%run_scoped3A_6, %add3A, %dma_wait3A_395, %dma_wait3A_396] : memref<3x32x2x128xi32, #tpu.memory_space<hbm>> -> memref<1x1x2x128xi32, #tpu.memory_space<hbm>>
      %dma_wait3A_398 = tpu.memref_squeeze %dma_wait3A_397 : memref<1x1x2x128xi32, #tpu.memory_space<hbm>> -> memref<2x128xi32, #tpu.memory_space<hbm>>
      tpu.wait_dma2 semaphore(%run_scoped3A_366 : memref<!tpu.dma_semaphore, #tpu.memory_space<semaphore_mem>>) src(%dma_wait3A_398 : memref<2x128xi32, #tpu.memory_space<hbm>>) dst(%dma_wait3A_394 : memref<2x128xi32, #tpu.memory_space<vmem>>)
      tpu.yield
    }) : () -> ()
    %dma_start3A = arith.constant 0 : i32
    %dma_start3A_8 = arith.constant 0 : i32
    %dma_start3A_9 = arith.constant 0 : i32
    %dma_start3A_10 = arith.constant 0 : i32
    %dma_start3A_11 = arith.constant 0 : i32
    %dma_start3A_12 = tpu.memref_slice %arg7[%dma_start3A_9, %dma_start3A_10, %dma_start3A_11] : memref<6x128x128xf32, #tpu.memory_space<vmem>> -> memref<1x128x128xf32, #tpu.memory_space<vmem>>
    %dma_start3A_13 = tpu.memref_squeeze %dma_start3A_12 : memref<1x128x128xf32, #tpu.memory_space<vmem>> -> memref<128x128xf32, #tpu.memory_space<vmem>>
    %dma_start3A_14 = arith.constant 0 : i32
    %dma_start3A_15 = tpu.memref_slice %arg6[%dma_start3A, %dma_start3A_8, %dma_start3A_14] : memref<3x2x128xi32, #tpu.memory_space<vmem>> -> memref<1x1x128xi32, #tpu.memory_space<vmem>>
    %dma_start3A_16 = tpu.memref_squeeze %dma_start3A_15 : memref<1x1x128xi32, #tpu.memory_space<vmem>> -> memref<128xi32, #tpu.memory_space<vmem>>
    %dma_start3A_17 = arith.constant 0 : i32
    %dma_start3A_18 = arith.constant 0 : i32
    %dma_start3A_19 = tpu.memref_slice %arg3[%dma_start3A_17, %dma_start3A_18] : memref<1000000x128xf32, #tpu.memory_space<hbm>> -> memref<1000000x128xf32, #tpu.memory_space<hbm>>
    tpu.enqueue_indirect_dma source(%dma_start3A_19 : memref<1000000x128xf32, #tpu.memory_space<hbm>>) target(%dma_start3A_13 : memref<128x128xf32, #tpu.memory_space<vmem>>) offsets(%dma_start3A_16 : memref<128xi32, #tpu.memory_space<vmem>>) semaphore(%arg8 : memref<!tpu.dma_semaphore, #tpu.memory_space<semaphore_mem>>)
    %dma_start3A_20 = arith.constant 0 : i32
    %dma_start3A_21 = arith.constant 1 : i32
    %dma_start3A_22 = arith.constant 1 : i32
    %dma_start3A_23 = arith.constant 0 : i32
    %dma_start3A_24 = arith.constant 0 : i32
    %dma_start3A_25 = tpu.memref_slice %arg7[%dma_start3A_22, %dma_start3A_23, %dma_start3A_24] : memref<6x128x128xf32, #tpu.memory_space<vmem>> -> memref<1x128x128xf32, #tpu.memory_space<vmem>>
    %dma_start3A_26 = tpu.memref_squeeze %dma_start3A_25 : memref<1x128x128xf32, #tpu.memory_space<vmem>> -> memref<128x128xf32, #tpu.memory_space<vmem>>
    %dma_start3A_27 = arith.constant 0 : i32
    %dma_start3A_28 = tpu.memref_slice %arg6[%dma_start3A_20, %dma_start3A_21, %dma_start3A_27] : memref<3x2x128xi32, #tpu.memory_space<vmem>> -> memref<1x1x128xi32, #tpu.memory_space<vmem>>
    %dma_start3A_29 = tpu.memref_squeeze %dma_start3A_28 : memref<1x1x128xi32, #tpu.memory_space<vmem>> -> memref<128xi32, #tpu.memory_space<vmem>>
    %dma_start3A_30 = arith.constant 0 : i32
    %dma_start3A_31 = arith.constant 0 : i32
    %dma_start3A_32 = tpu.memref_slice %arg3[%dma_start3A_30, %dma_start3A_31] : memref<1000000x128xf32, #tpu.memory_space<hbm>> -> memref<1000000x128xf32, #tpu.memory_space<hbm>>
    tpu.enqueue_indirect_dma source(%dma_start3A_32 : memref<1000000x128xf32, #tpu.memory_space<hbm>>) target(%dma_start3A_26 : memref<128x128xf32, #tpu.memory_space<vmem>>) offsets(%dma_start3A_29 : memref<128xi32, #tpu.memory_space<vmem>>) semaphore(%arg9 : memref<!tpu.dma_semaphore, #tpu.memory_space<semaphore_mem>>)
    %dma_start3A_33 = arith.constant 1 : i32
    %dma_start3A_34 = arith.constant 0 : i32
    %dma_start3A_35 = arith.constant 2 : i32
    %dma_start3A_36 = arith.constant 0 : i32
    %dma_start3A_37 = arith.constant 0 : i32
    %dma_start3A_38 = tpu.memref_slice %arg7[%dma_start3A_35, %dma_start3A_36, %dma_start3A_37] : memref<6x128x128xf32, #tpu.memory_space<vmem>> -> memref<1x128x128xf32, #tpu.memory_space<vmem>>
    %dma_start3A_39 = tpu.memref_squeeze %dma_start3A_38 : memref<1x128x128xf32, #tpu.memory_space<vmem>> -> memref<128x128xf32, #tpu.memory_space<vmem>>
    %dma_start3A_40 = arith.constant 0 : i32
    %dma_start3A_41 = tpu.memref_slice %arg6[%dma_start3A_33, %dma_start3A_34, %dma_start3A_40] : memref<3x2x128xi32, #tpu.memory_space<vmem>> -> memref<1x1x128xi32, #tpu.memory_space<vmem>>
    %dma_start3A_42 = tpu.memref_squeeze %dma_start3A_41 : memref<1x1x128xi32, #tpu.memory_space<vmem>> -> memref<128xi32, #tpu.memory_space<vmem>>
    %dma_start3A_43 = arith.constant 0 : i32
    %dma_start3A_44 = arith.constant 0 : i32
    %dma_start3A_45 = tpu.memref_slice %arg4[%dma_start3A_43, %dma_start3A_44] : memref<1000000x128xf32, #tpu.memory_space<hbm>> -> memref<1000000x128xf32, #tpu.memory_space<hbm>>
    tpu.enqueue_indirect_dma source(%dma_start3A_45 : memref<1000000x128xf32, #tpu.memory_space<hbm>>) target(%dma_start3A_39 : memref<128x128xf32, #tpu.memory_space<vmem>>) offsets(%dma_start3A_42 : memref<128xi32, #tpu.memory_space<vmem>>) semaphore(%arg10 : memref<!tpu.dma_semaphore, #tpu.memory_space<semaphore_mem>>)
    %dma_start3A_46 = arith.constant 1 : i32
    %dma_start3A_47 = arith.constant 1 : i32
    %dma_start3A_48 = arith.constant 3 : i32
    %dma_start3A_49 = arith.constant 0 : i32
    %dma_start3A_50 = arith.constant 0 : i32
    %dma_start3A_51 = tpu.memref_slice %arg7[%dma_start3A_48, %dma_start3A_49, %dma_start3A_50] : memref<6x128x128xf32, #tpu.memory_space<vmem>> -> memref<1x128x128xf32, #tpu.memory_space<vmem>>
    %dma_start3A_52 = tpu.memref_squeeze %dma_start3A_51 : memref<1x128x128xf32, #tpu.memory_space<vmem>> -> memref<128x128xf32, #tpu.memory_space<vmem>>
    %dma_start3A_53 = arith.constant 0 : i32
    %dma_start3A_54 = tpu.memref_slice %arg6[%dma_start3A_46, %dma_start3A_47, %dma_start3A_53] : memref<3x2x128xi32, #tpu.memory_space<vmem>> -> memref<1x1x128xi32, #tpu.memory_space<vmem>>
    %dma_start3A_55 = tpu.memref_squeeze %dma_start3A_54 : memref<1x1x128xi32, #tpu.memory_space<vmem>> -> memref<128xi32, #tpu.memory_space<vmem>>
    %dma_start3A_56 = arith.constant 0 : i32
    %dma_start3A_57 = arith.constant 0 : i32
    %dma_start3A_58 = tpu.memref_slice %arg4[%dma_start3A_56, %dma_start3A_57] : memref<1000000x128xf32, #tpu.memory_space<hbm>> -> memref<1000000x128xf32, #tpu.memory_space<hbm>>
    tpu.enqueue_indirect_dma source(%dma_start3A_58 : memref<1000000x128xf32, #tpu.memory_space<hbm>>) target(%dma_start3A_52 : memref<128x128xf32, #tpu.memory_space<vmem>>) offsets(%dma_start3A_55 : memref<128xi32, #tpu.memory_space<vmem>>) semaphore(%arg11 : memref<!tpu.dma_semaphore, #tpu.memory_space<semaphore_mem>>)
    %dma_start3A_59 = arith.constant 2 : i32
    %dma_start3A_60 = arith.constant 0 : i32
    %dma_start3A_61 = arith.constant 4 : i32
    %dma_start3A_62 = arith.constant 0 : i32
    %dma_start3A_63 = arith.constant 0 : i32
    %dma_start3A_64 = tpu.memref_slice %arg7[%dma_start3A_61, %dma_start3A_62, %dma_start3A_63] : memref<6x128x128xf32, #tpu.memory_space<vmem>> -> memref<1x128x128xf32, #tpu.memory_space<vmem>>
    %dma_start3A_65 = tpu.memref_squeeze %dma_start3A_64 : memref<1x128x128xf32, #tpu.memory_space<vmem>> -> memref<128x128xf32, #tpu.memory_space<vmem>>
    %dma_start3A_66 = arith.constant 0 : i32
    %dma_start3A_67 = tpu.memref_slice %arg6[%dma_start3A_59, %dma_start3A_60, %dma_start3A_66] : memref<3x2x128xi32, #tpu.memory_space<vmem>> -> memref<1x1x128xi32, #tpu.memory_space<vmem>>
    %dma_start3A_68 = tpu.memref_squeeze %dma_start3A_67 : memref<1x1x128xi32, #tpu.memory_space<vmem>> -> memref<128xi32, #tpu.memory_space<vmem>>
    %dma_start3A_69 = arith.constant 0 : i32
    %dma_start3A_70 = arith.constant 0 : i32
    %dma_start3A_71 = tpu.memref_slice %arg3[%dma_start3A_69, %dma_start3A_70] : memref<1000000x128xf32, #tpu.memory_space<hbm>> -> memref<1000000x128xf32, #tpu.memory_space<hbm>>
    tpu.enqueue_indirect_dma source(%dma_start3A_71 : memref<1000000x128xf32, #tpu.memory_space<hbm>>) target(%dma_start3A_65 : memref<128x128xf32, #tpu.memory_space<vmem>>) offsets(%dma_start3A_68 : memref<128xi32, #tpu.memory_space<vmem>>) semaphore(%arg12 : memref<!tpu.dma_semaphore, #tpu.memory_space<semaphore_mem>>)
    %dma_start3A_72 = arith.constant 2 : i32
    %dma_start3A_73 = arith.constant 1 : i32
    %dma_start3A_74 = arith.constant 5 : i32
    %dma_start3A_75 = arith.constant 0 : i32
    %dma_start3A_76 = arith.constant 0 : i32
    %dma_start3A_77 = tpu.memref_slice %arg7[%dma_start3A_74, %dma_start3A_75, %dma_start3A_76] : memref<6x128x128xf32, #tpu.memory_space<vmem>> -> memref<1x128x128xf32, #tpu.memory_space<vmem>>
    %dma_start3A_78 = tpu.memref_squeeze %dma_start3A_77 : memref<1x128x128xf32, #tpu.memory_space<vmem>> -> memref<128x128xf32, #tpu.memory_space<vmem>>
    %dma_start3A_79 = arith.constant 0 : i32
    %dma_start3A_80 = tpu.memref_slice %arg6[%dma_start3A_72, %dma_start3A_73, %dma_start3A_79] : memref<3x2x128xi32, #tpu.memory_space<vmem>> -> memref<1x1x128xi32, #tpu.memory_space<vmem>>
    %dma_start3A_81 = tpu.memref_squeeze %dma_start3A_80 : memref<1x1x128xi32, #tpu.memory_space<vmem>> -> memref<128xi32, #tpu.memory_space<vmem>>
    %dma_start3A_82 = arith.constant 0 : i32
    %dma_start3A_83 = arith.constant 0 : i32
    %dma_start3A_84 = tpu.memref_slice %arg3[%dma_start3A_82, %dma_start3A_83] : memref<1000000x128xf32, #tpu.memory_space<hbm>> -> memref<1000000x128xf32, #tpu.memory_space<hbm>>
    tpu.enqueue_indirect_dma source(%dma_start3A_84 : memref<1000000x128xf32, #tpu.memory_space<hbm>>) target(%dma_start3A_78 : memref<128x128xf32, #tpu.memory_space<vmem>>) offsets(%dma_start3A_81 : memref<128xi32, #tpu.memory_space<vmem>>) semaphore(%arg13 : memref<!tpu.dma_semaphore, #tpu.memory_space<semaphore_mem>>)
    %dma_wait3A = arith.constant 0 : i32
    %dma_wait3A_85 = arith.constant 0 : i32
    %dma_wait3A_86 = arith.constant 0 : i32
    %dma_wait3A_87 = arith.constant 0 : i32
    %dma_wait3A_88 = arith.constant 0 : i32
    %dma_wait3A_89 = tpu.memref_slice %arg7[%dma_wait3A_86, %dma_wait3A_87, %dma_wait3A_88] : memref<6x128x128xf32, #tpu.memory_space<vmem>> -> memref<1x128x128xf32, #tpu.memory_space<vmem>>
    %dma_wait3A_90 = tpu.memref_squeeze %dma_wait3A_89 : memref<1x128x128xf32, #tpu.memory_space<vmem>> -> memref<128x128xf32, #tpu.memory_space<vmem>>
    %dma_wait3A_91 = arith.constant 0 : i32
    %dma_wait3A_92 = tpu.memref_slice %arg6[%dma_wait3A, %dma_wait3A_85, %dma_wait3A_91] : memref<3x2x128xi32, #tpu.memory_space<vmem>> -> memref<1x1x128xi32, #tpu.memory_space<vmem>>
    %dma_wait3A_93 = tpu.memref_squeeze %dma_wait3A_92 : memref<1x1x128xi32, #tpu.memory_space<vmem>> -> memref<128xi32, #tpu.memory_space<vmem>>
    %dma_wait3A_94 = arith.constant 0 : i32
    %dma_wait3A_95 = arith.constant 0 : i32
    %dma_wait3A_96 = tpu.memref_slice %arg3[%dma_wait3A_94, %dma_wait3A_95] : memref<1000000x128xf32, #tpu.memory_space<hbm>> -> memref<1000000x128xf32, #tpu.memory_space<hbm>>
    tpu.wait_indirect_dma semaphore(%arg8 : memref<!tpu.dma_semaphore, #tpu.memory_space<semaphore_mem>>) src(%dma_wait3A_96 : memref<1000000x128xf32, #tpu.memory_space<hbm>>) dst(%dma_wait3A_90 : memref<128x128xf32, #tpu.memory_space<vmem>>)
    %add3A_97 = arith.constant 0 : i32
    %add3A_98 = arith.addi %mul3A_2, %add3A_97 : i32
    %dma_start3A_99 = arith.constant 0 : i32
    %dma_start3A_100 = arith.constant 0 : i32
    %dma_start3A_101 = arith.constant 0 : i32
    %dma_start3A_102 = arith.constant 0 : i32
    %dma_start3A_103 = tpu.memref_slice %arg7[%dma_start3A_99, %dma_start3A_101, %dma_start3A_102] : memref<6x128x128xf32, #tpu.memory_space<vmem>> -> memref<1x128x128xf32, #tpu.memory_space<vmem>>
    %dma_start3A_104 = tpu.memref_squeeze %dma_start3A_103 : memref<1x128x128xf32, #tpu.memory_space<vmem>> -> memref<128x128xf32, #tpu.memory_space<vmem>>
    %dma_start3A_105 = arith.constant 0 : i32
    %dma_start3A_106 = tpu.memref_slice %arg5[%dma_start3A_100, %add3A_98, %dma_start3A_105] : memref<3x8192x128xf32, #tpu.memory_space<hbm>> -> memref<1x128x128xf32, #tpu.memory_space<hbm>>
    %dma_start3A_107 = tpu.memref_squeeze %dma_start3A_106 : memref<1x128x128xf32, #tpu.memory_space<hbm>> -> memref<128x128xf32, #tpu.memory_space<hbm>>
    %dma_start3A_108 = arith.constant 0 : i32
    %dma_start3A_109 = tpu.memref_slice %arg5[%dma_start3A_100, %add3A_98, %dma_start3A_108] : memref<3x8192x128xf32, #tpu.memory_space<hbm>> -> memref<1x128x128xf32, #tpu.memory_space<hbm>>
    %dma_start3A_110 = tpu.memref_squeeze %dma_start3A_109 : memref<1x128x128xf32, #tpu.memory_space<hbm>> -> memref<128x128xf32, #tpu.memory_space<hbm>>
    %dma_start3A_111 = arith.constant 0 : i32
    %dma_start3A_112 = arith.constant 0 : i32
    %dma_start3A_113 = tpu.memref_slice %arg7[%dma_start3A_99, %dma_start3A_111, %dma_start3A_112] : memref<6x128x128xf32, #tpu.memory_space<vmem>> -> memref<1x128x128xf32, #tpu.memory_space<vmem>>
    %dma_start3A_114 = tpu.memref_squeeze %dma_start3A_113 : memref<1x128x128xf32, #tpu.memory_space<vmem>> -> memref<128x128xf32, #tpu.memory_space<vmem>>
    tpu.enqueue_dma source(%dma_start3A_114 : memref<128x128xf32, #tpu.memory_space<vmem>>) target(%dma_start3A_110 : memref<128x128xf32, #tpu.memory_space<hbm>>) target_semaphore(%arg14 : memref<!tpu.dma_semaphore, #tpu.memory_space<semaphore_mem>>)
    %dma_wait3A_115 = arith.constant 0 : i32
    %dma_wait3A_116 = arith.constant 1 : i32
    %dma_wait3A_117 = arith.constant 1 : i32
    %dma_wait3A_118 = arith.constant 0 : i32
    %dma_wait3A_119 = arith.constant 0 : i32
    %dma_wait3A_120 = tpu.memref_slice %arg7[%dma_wait3A_117, %dma_wait3A_118, %dma_wait3A_119] : memref<6x128x128xf32, #tpu.memory_space<vmem>> -> memref<1x128x128xf32, #tpu.memory_space<vmem>>
    %dma_wait3A_121 = tpu.memref_squeeze %dma_wait3A_120 : memref<1x128x128xf32, #tpu.memory_space<vmem>> -> memref<128x128xf32, #tpu.memory_space<vmem>>
    %dma_wait3A_122 = arith.constant 0 : i32
    %dma_wait3A_123 = tpu.memref_slice %arg6[%dma_wait3A_115, %dma_wait3A_116, %dma_wait3A_122] : memref<3x2x128xi32, #tpu.memory_space<vmem>> -> memref<1x1x128xi32, #tpu.memory_space<vmem>>
    %dma_wait3A_124 = tpu.memref_squeeze %dma_wait3A_123 : memref<1x1x128xi32, #tpu.memory_space<vmem>> -> memref<128xi32, #tpu.memory_space<vmem>>
    %dma_wait3A_125 = arith.constant 0 : i32
    %dma_wait3A_126 = arith.constant 0 : i32
    %dma_wait3A_127 = tpu.memref_slice %arg3[%dma_wait3A_125, %dma_wait3A_126] : memref<1000000x128xf32, #tpu.memory_space<hbm>> -> memref<1000000x128xf32, #tpu.memory_space<hbm>>
    tpu.wait_indirect_dma semaphore(%arg9 : memref<!tpu.dma_semaphore, #tpu.memory_space<semaphore_mem>>) src(%dma_wait3A_127 : memref<1000000x128xf32, #tpu.memory_space<hbm>>) dst(%dma_wait3A_121 : memref<128x128xf32, #tpu.memory_space<vmem>>)
    %add3A_128 = arith.constant 128 : i32
    %add3A_129 = arith.addi %mul3A_2, %add3A_128 : i32
    %dma_start3A_130 = arith.constant 1 : i32
    %dma_start3A_131 = arith.constant 0 : i32
    %dma_start3A_132 = arith.constant 0 : i32
    %dma_start3A_133 = arith.constant 0 : i32
    %dma_start3A_134 = tpu.memref_slice %arg7[%dma_start3A_130, %dma_start3A_132, %dma_start3A_133] : memref<6x128x128xf32, #tpu.memory_space<vmem>> -> memref<1x128x128xf32, #tpu.memory_space<vmem>>
    %dma_start3A_135 = tpu.memref_squeeze %dma_start3A_134 : memref<1x128x128xf32, #tpu.memory_space<vmem>> -> memref<128x128xf32, #tpu.memory_space<vmem>>
    %dma_start3A_136 = arith.constant 0 : i32
    %dma_start3A_137 = tpu.memref_slice %arg5[%dma_start3A_131, %add3A_129, %dma_start3A_136] : memref<3x8192x128xf32, #tpu.memory_space<hbm>> -> memref<1x128x128xf32, #tpu.memory_space<hbm>>
    %dma_start3A_138 = tpu.memref_squeeze %dma_start3A_137 : memref<1x128x128xf32, #tpu.memory_space<hbm>> -> memref<128x128xf32, #tpu.memory_space<hbm>>
    %dma_start3A_139 = arith.constant 0 : i32
    %dma_start3A_140 = tpu.memref_slice %arg5[%dma_start3A_131, %add3A_129, %dma_start3A_139] : memref<3x8192x128xf32, #tpu.memory_space<hbm>> -> memref<1x128x128xf32, #tpu.memory_space<hbm>>
    %dma_start3A_141 = tpu.memref_squeeze %dma_start3A_140 : memref<1x128x128xf32, #tpu.memory_space<hbm>> -> memref<128x128xf32, #tpu.memory_space<hbm>>
    %dma_start3A_142 = arith.constant 0 : i32
    %dma_start3A_143 = arith.constant 0 : i32
    %dma_start3A_144 = tpu.memref_slice %arg7[%dma_start3A_130, %dma_start3A_142, %dma_start3A_143] : memref<6x128x128xf32, #tpu.memory_space<vmem>> -> memref<1x128x128xf32, #tpu.memory_space<vmem>>
    %dma_start3A_145 = tpu.memref_squeeze %dma_start3A_144 : memref<1x128x128xf32, #tpu.memory_space<vmem>> -> memref<128x128xf32, #tpu.memory_space<vmem>>
    tpu.enqueue_dma source(%dma_start3A_145 : memref<128x128xf32, #tpu.memory_space<vmem>>) target(%dma_start3A_141 : memref<128x128xf32, #tpu.memory_space<hbm>>) target_semaphore(%arg15 : memref<!tpu.dma_semaphore, #tpu.memory_space<semaphore_mem>>)
    %dma_wait3A_146 = arith.constant 1 : i32
    %dma_wait3A_147 = arith.constant 0 : i32
    %dma_wait3A_148 = arith.constant 2 : i32
    %dma_wait3A_149 = arith.constant 0 : i32
    %dma_wait3A_150 = arith.constant 0 : i32
    %dma_wait3A_151 = tpu.memref_slice %arg7[%dma_wait3A_148, %dma_wait3A_149, %dma_wait3A_150] : memref<6x128x128xf32, #tpu.memory_space<vmem>> -> memref<1x128x128xf32, #tpu.memory_space<vmem>>
    %dma_wait3A_152 = tpu.memref_squeeze %dma_wait3A_151 : memref<1x128x128xf32, #tpu.memory_space<vmem>> -> memref<128x128xf32, #tpu.memory_space<vmem>>
    %dma_wait3A_153 = arith.constant 0 : i32
    %dma_wait3A_154 = tpu.memref_slice %arg6[%dma_wait3A_146, %dma_wait3A_147, %dma_wait3A_153] : memref<3x2x128xi32, #tpu.memory_space<vmem>> -> memref<1x1x128xi32, #tpu.memory_space<vmem>>
    %dma_wait3A_155 = tpu.memref_squeeze %dma_wait3A_154 : memref<1x1x128xi32, #tpu.memory_space<vmem>> -> memref<128xi32, #tpu.memory_space<vmem>>
    %dma_wait3A_156 = arith.constant 0 : i32
    %dma_wait3A_157 = arith.constant 0 : i32
    %dma_wait3A_158 = tpu.memref_slice %arg4[%dma_wait3A_156, %dma_wait3A_157] : memref<1000000x128xf32, #tpu.memory_space<hbm>> -> memref<1000000x128xf32, #tpu.memory_space<hbm>>
    tpu.wait_indirect_dma semaphore(%arg10 : memref<!tpu.dma_semaphore, #tpu.memory_space<semaphore_mem>>) src(%dma_wait3A_158 : memref<1000000x128xf32, #tpu.memory_space<hbm>>) dst(%dma_wait3A_152 : memref<128x128xf32, #tpu.memory_space<vmem>>)
    %add3A_159 = arith.constant 0 : i32
    %add3A_160 = arith.addi %mul3A_2, %add3A_159 : i32
    %dma_start3A_161 = arith.constant 2 : i32
    %dma_start3A_162 = arith.constant 1 : i32
    %dma_start3A_163 = arith.constant 0 : i32
    %dma_start3A_164 = arith.constant 0 : i32
    %dma_start3A_165 = tpu.memref_slice %arg7[%dma_start3A_161, %dma_start3A_163, %dma_start3A_164] : memref<6x128x128xf32, #tpu.memory_space<vmem>> -> memref<1x128x128xf32, #tpu.memory_space<vmem>>
    %dma_start3A_166 = tpu.memref_squeeze %dma_start3A_165 : memref<1x128x128xf32, #tpu.memory_space<vmem>> -> memref<128x128xf32, #tpu.memory_space<vmem>>
    %dma_start3A_167 = arith.constant 0 : i32
    %dma_start3A_168 = tpu.memref_slice %arg5[%dma_start3A_162, %add3A_160, %dma_start3A_167] : memref<3x8192x128xf32, #tpu.memory_space<hbm>> -> memref<1x128x128xf32, #tpu.memory_space<hbm>>
    %dma_start3A_169 = tpu.memref_squeeze %dma_start3A_168 : memref<1x128x128xf32, #tpu.memory_space<hbm>> -> memref<128x128xf32, #tpu.memory_space<hbm>>
    %dma_start3A_170 = arith.constant 0 : i32
    %dma_start3A_171 = tpu.memref_slice %arg5[%dma_start3A_162, %add3A_160, %dma_start3A_170] : memref<3x8192x128xf32, #tpu.memory_space<hbm>> -> memref<1x128x128xf32, #tpu.memory_space<hbm>>
    %dma_start3A_172 = tpu.memref_squeeze %dma_start3A_171 : memref<1x128x128xf32, #tpu.memory_space<hbm>> -> memref<128x128xf32, #tpu.memory_space<hbm>>
    %dma_start3A_173 = arith.constant 0 : i32
    %dma_start3A_174 = arith.constant 0 : i32
    %dma_start3A_175 = tpu.memref_slice %arg7[%dma_start3A_161, %dma_start3A_173, %dma_start3A_174] : memref<6x128x128xf32, #tpu.memory_space<vmem>> -> memref<1x128x128xf32, #tpu.memory_space<vmem>>
    %dma_start3A_176 = tpu.memref_squeeze %dma_start3A_175 : memref<1x128x128xf32, #tpu.memory_space<vmem>> -> memref<128x128xf32, #tpu.memory_space<vmem>>
    tpu.enqueue_dma source(%dma_start3A_176 : memref<128x128xf32, #tpu.memory_space<vmem>>) target(%dma_start3A_172 : memref<128x128xf32, #tpu.memory_space<hbm>>) target_semaphore(%arg16 : memref<!tpu.dma_semaphore, #tpu.memory_space<semaphore_mem>>)
    %dma_wait3A_177 = arith.constant 1 : i32
    %dma_wait3A_178 = arith.constant 1 : i32
    %dma_wait3A_179 = arith.constant 3 : i32
    %dma_wait3A_180 = arith.constant 0 : i32
    %dma_wait3A_181 = arith.constant 0 : i32
    %dma_wait3A_182 = tpu.memref_slice %arg7[%dma_wait3A_179, %dma_wait3A_180, %dma_wait3A_181] : memref<6x128x128xf32, #tpu.memory_space<vmem>> -> memref<1x128x128xf32, #tpu.memory_space<vmem>>
    %dma_wait3A_183 = tpu.memref_squeeze %dma_wait3A_182 : memref<1x128x128xf32, #tpu.memory_space<vmem>> -> memref<128x128xf32, #tpu.memory_space<vmem>>
    %dma_wait3A_184 = arith.constant 0 : i32
    %dma_wait3A_185 = tpu.memref_slice %arg6[%dma_wait3A_177, %dma_wait3A_178, %dma_wait3A_184] : memref<3x2x128xi32, #tpu.memory_space<vmem>> -> memref<1x1x128xi32, #tpu.memory_space<vmem>>
    %dma_wait3A_186 = tpu.memref_squeeze %dma_wait3A_185 : memref<1x1x128xi32, #tpu.memory_space<vmem>> -> memref<128xi32, #tpu.memory_space<vmem>>
    %dma_wait3A_187 = arith.constant 0 : i32
    %dma_wait3A_188 = arith.constant 0 : i32
    %dma_wait3A_189 = tpu.memref_slice %arg4[%dma_wait3A_187, %dma_wait3A_188] : memref<1000000x128xf32, #tpu.memory_space<hbm>> -> memref<1000000x128xf32, #tpu.memory_space<hbm>>
    tpu.wait_indirect_dma semaphore(%arg11 : memref<!tpu.dma_semaphore, #tpu.memory_space<semaphore_mem>>) src(%dma_wait3A_189 : memref<1000000x128xf32, #tpu.memory_space<hbm>>) dst(%dma_wait3A_183 : memref<128x128xf32, #tpu.memory_space<vmem>>)
    %add3A_190 = arith.constant 128 : i32
    %add3A_191 = arith.addi %mul3A_2, %add3A_190 : i32
    %dma_start3A_192 = arith.constant 3 : i32
    %dma_start3A_193 = arith.constant 1 : i32
    %dma_start3A_194 = arith.constant 0 : i32
    %dma_start3A_195 = arith.constant 0 : i32
    %dma_start3A_196 = tpu.memref_slice %arg7[%dma_start3A_192, %dma_start3A_194, %dma_start3A_195] : memref<6x128x128xf32, #tpu.memory_space<vmem>> -> memref<1x128x128xf32, #tpu.memory_space<vmem>>
    %dma_start3A_197 = tpu.memref_squeeze %dma_start3A_196 : memref<1x128x128xf32, #tpu.memory_space<vmem>> -> memref<128x128xf32, #tpu.memory_space<vmem>>
    %dma_start3A_198 = arith.constant 0 : i32
    %dma_start3A_199 = tpu.memref_slice %arg5[%dma_start3A_193, %add3A_191, %dma_start3A_198] : memref<3x8192x128xf32, #tpu.memory_space<hbm>> -> memref<1x128x128xf32, #tpu.memory_space<hbm>>
    %dma_start3A_200 = tpu.memref_squeeze %dma_start3A_199 : memref<1x128x128xf32, #tpu.memory_space<hbm>> -> memref<128x128xf32, #tpu.memory_space<hbm>>
    %dma_start3A_201 = arith.constant 0 : i32
    %dma_start3A_202 = tpu.memref_slice %arg5[%dma_start3A_193, %add3A_191, %dma_start3A_201] : memref<3x8192x128xf32, #tpu.memory_space<hbm>> -> memref<1x128x128xf32, #tpu.memory_space<hbm>>
    %dma_start3A_203 = tpu.memref_squeeze %dma_start3A_202 : memref<1x128x128xf32, #tpu.memory_space<hbm>> -> memref<128x128xf32, #tpu.memory_space<hbm>>
    %dma_start3A_204 = arith.constant 0 : i32
    %dma_start3A_205 = arith.constant 0 : i32
    %dma_start3A_206 = tpu.memref_slice %arg7[%dma_start3A_192, %dma_start3A_204, %dma_start3A_205] : memref<6x128x128xf32, #tpu.memory_space<vmem>> -> memref<1x128x128xf32, #tpu.memory_space<vmem>>
    %dma_start3A_207 = tpu.memref_squeeze %dma_start3A_206 : memref<1x128x128xf32, #tpu.memory_space<vmem>> -> memref<128x128xf32, #tpu.memory_space<vmem>>
    tpu.enqueue_dma source(%dma_start3A_207 : memref<128x128xf32, #tpu.memory_space<vmem>>) target(%dma_start3A_203 : memref<128x128xf32, #tpu.memory_space<hbm>>) target_semaphore(%arg17 : memref<!tpu.dma_semaphore, #tpu.memory_space<semaphore_mem>>)
    %dma_wait3A_208 = arith.constant 2 : i32
    %dma_wait3A_209 = arith.constant 0 : i32
    %dma_wait3A_210 = arith.constant 4 : i32
    %dma_wait3A_211 = arith.constant 0 : i32
    %dma_wait3A_212 = arith.constant 0 : i32
    %dma_wait3A_213 = tpu.memref_slice %arg7[%dma_wait3A_210, %dma_wait3A_211, %dma_wait3A_212] : memref<6x128x128xf32, #tpu.memory_space<vmem>> -> memref<1x128x128xf32, #tpu.memory_space<vmem>>
    %dma_wait3A_214 = tpu.memref_squeeze %dma_wait3A_213 : memref<1x128x128xf32, #tpu.memory_space<vmem>> -> memref<128x128xf32, #tpu.memory_space<vmem>>
    %dma_wait3A_215 = arith.constant 0 : i32
    %dma_wait3A_216 = tpu.memref_slice %arg6[%dma_wait3A_208, %dma_wait3A_209, %dma_wait3A_215] : memref<3x2x128xi32, #tpu.memory_space<vmem>> -> memref<1x1x128xi32, #tpu.memory_space<vmem>>
    %dma_wait3A_217 = tpu.memref_squeeze %dma_wait3A_216 : memref<1x1x128xi32, #tpu.memory_space<vmem>> -> memref<128xi32, #tpu.memory_space<vmem>>
    %dma_wait3A_218 = arith.constant 0 : i32
    %dma_wait3A_219 = arith.constant 0 : i32
    %dma_wait3A_220 = tpu.memref_slice %arg3[%dma_wait3A_218, %dma_wait3A_219] : memref<1000000x128xf32, #tpu.memory_space<hbm>> -> memref<1000000x128xf32, #tpu.memory_space<hbm>>
    tpu.wait_indirect_dma semaphore(%arg12 : memref<!tpu.dma_semaphore, #tpu.memory_space<semaphore_mem>>) src(%dma_wait3A_220 : memref<1000000x128xf32, #tpu.memory_space<hbm>>) dst(%dma_wait3A_214 : memref<128x128xf32, #tpu.memory_space<vmem>>)
    %add3A_221 = arith.constant 0 : i32
    %add3A_222 = arith.addi %mul3A_2, %add3A_221 : i32
    %dma_start3A_223 = arith.constant 4 : i32
    %dma_start3A_224 = arith.constant 2 : i32
    %dma_start3A_225 = arith.constant 0 : i32
    %dma_start3A_226 = arith.constant 0 : i32
    %dma_start3A_227 = tpu.memref_slice %arg7[%dma_start3A_223, %dma_start3A_225, %dma_start3A_226] : memref<6x128x128xf32, #tpu.memory_space<vmem>> -> memref<1x128x128xf32, #tpu.memory_space<vmem>>
    %dma_start3A_228 = tpu.memref_squeeze %dma_start3A_227 : memref<1x128x128xf32, #tpu.memory_space<vmem>> -> memref<128x128xf32, #tpu.memory_space<vmem>>
    %dma_start3A_229 = arith.constant 0 : i32
    %dma_start3A_230 = tpu.memref_slice %arg5[%dma_start3A_224, %add3A_222, %dma_start3A_229] : memref<3x8192x128xf32, #tpu.memory_space<hbm>> -> memref<1x128x128xf32, #tpu.memory_space<hbm>>
    %dma_start3A_231 = tpu.memref_squeeze %dma_start3A_230 : memref<1x128x128xf32, #tpu.memory_space<hbm>> -> memref<128x128xf32, #tpu.memory_space<hbm>>
    %dma_start3A_232 = arith.constant 0 : i32
    %dma_start3A_233 = tpu.memref_slice %arg5[%dma_start3A_224, %add3A_222, %dma_start3A_232] : memref<3x8192x128xf32, #tpu.memory_space<hbm>> -> memref<1x128x128xf32, #tpu.memory_space<hbm>>
    %dma_start3A_234 = tpu.memref_squeeze %dma_start3A_233 : memref<1x128x128xf32, #tpu.memory_space<hbm>> -> memref<128x128xf32, #tpu.memory_space<hbm>>
    %dma_start3A_235 = arith.constant 0 : i32
    %dma_start3A_236 = arith.constant 0 : i32
    %dma_start3A_237 = tpu.memref_slice %arg7[%dma_start3A_223, %dma_start3A_235, %dma_start3A_236] : memref<6x128x128xf32, #tpu.memory_space<vmem>> -> memref<1x128x128xf32, #tpu.memory_space<vmem>>
    %dma_start3A_238 = tpu.memref_squeeze %dma_start3A_237 : memref<1x128x128xf32, #tpu.memory_space<vmem>> -> memref<128x128xf32, #tpu.memory_space<vmem>>
    tpu.enqueue_dma source(%dma_start3A_238 : memref<128x128xf32, #tpu.memory_space<vmem>>) target(%dma_start3A_234 : memref<128x128xf32, #tpu.memory_space<hbm>>) target_semaphore(%arg18 : memref<!tpu.dma_semaphore, #tpu.memory_space<semaphore_mem>>)
    %dma_wait3A_239 = arith.constant 2 : i32
    %dma_wait3A_240 = arith.constant 1 : i32
    %dma_wait3A_241 = arith.constant 5 : i32
    %dma_wait3A_242 = arith.constant 0 : i32
    %dma_wait3A_243 = arith.constant 0 : i32
    %dma_wait3A_244 = tpu.memref_slice %arg7[%dma_wait3A_241, %dma_wait3A_242, %dma_wait3A_243] : memref<6x128x128xf32, #tpu.memory_space<vmem>> -> memref<1x128x128xf32, #tpu.memory_space<vmem>>
    %dma_wait3A_245 = tpu.memref_squeeze %dma_wait3A_244 : memref<1x128x128xf32, #tpu.memory_space<vmem>> -> memref<128x128xf32, #tpu.memory_space<vmem>>
    %dma_wait3A_246 = arith.constant 0 : i32
    %dma_wait3A_247 = tpu.memref_slice %arg6[%dma_wait3A_239, %dma_wait3A_240, %dma_wait3A_246] : memref<3x2x128xi32, #tpu.memory_space<vmem>> -> memref<1x1x128xi32, #tpu.memory_space<vmem>>
    %dma_wait3A_248 = tpu.memref_squeeze %dma_wait3A_247 : memref<1x1x128xi32, #tpu.memory_space<vmem>> -> memref<128xi32, #tpu.memory_space<vmem>>
    %dma_wait3A_249 = arith.constant 0 : i32
    %dma_wait3A_250 = arith.constant 0 : i32
    %dma_wait3A_251 = tpu.memref_slice %arg3[%dma_wait3A_249, %dma_wait3A_250] : memref<1000000x128xf32, #tpu.memory_space<hbm>> -> memref<1000000x128xf32, #tpu.memory_space<hbm>>
    tpu.wait_indirect_dma semaphore(%arg13 : memref<!tpu.dma_semaphore, #tpu.memory_space<semaphore_mem>>) src(%dma_wait3A_251 : memref<1000000x128xf32, #tpu.memory_space<hbm>>) dst(%dma_wait3A_245 : memref<128x128xf32, #tpu.memory_space<vmem>>)
    %add3A_252 = arith.constant 128 : i32
    %add3A_253 = arith.addi %mul3A_2, %add3A_252 : i32
    %dma_start3A_254 = arith.constant 5 : i32
    %dma_start3A_255 = arith.constant 2 : i32
    %dma_start3A_256 = arith.constant 0 : i32
    %dma_start3A_257 = arith.constant 0 : i32
    %dma_start3A_258 = tpu.memref_slice %arg7[%dma_start3A_254, %dma_start3A_256, %dma_start3A_257] : memref<6x128x128xf32, #tpu.memory_space<vmem>> -> memref<1x128x128xf32, #tpu.memory_space<vmem>>
    %dma_start3A_259 = tpu.memref_squeeze %dma_start3A_258 : memref<1x128x128xf32, #tpu.memory_space<vmem>> -> memref<128x128xf32, #tpu.memory_space<vmem>>
    %dma_start3A_260 = arith.constant 0 : i32
    %dma_start3A_261 = tpu.memref_slice %arg5[%dma_start3A_255, %add3A_253, %dma_start3A_260] : memref<3x8192x128xf32, #tpu.memory_space<hbm>> -> memref<1x128x128xf32, #tpu.memory_space<hbm>>
    %dma_start3A_262 = tpu.memref_squeeze %dma_start3A_261 : memref<1x128x128xf32, #tpu.memory_space<hbm>> -> memref<128x128xf32, #tpu.memory_space<hbm>>
    %dma_start3A_263 = arith.constant 0 : i32
    %dma_start3A_264 = tpu.memref_slice %arg5[%dma_start3A_255, %add3A_253, %dma_start3A_263] : memref<3x8192x128xf32, #tpu.memory_space<hbm>> -> memref<1x128x128xf32, #tpu.memory_space<hbm>>
    %dma_start3A_265 = tpu.memref_squeeze %dma_start3A_264 : memref<1x128x128xf32, #tpu.memory_space<hbm>> -> memref<128x128xf32, #tpu.memory_space<hbm>>
    %dma_start3A_266 = arith.constant 0 : i32
    %dma_start3A_267 = arith.constant 0 : i32
    %dma_start3A_268 = tpu.memref_slice %arg7[%dma_start3A_254, %dma_start3A_266, %dma_start3A_267] : memref<6x128x128xf32, #tpu.memory_space<vmem>> -> memref<1x128x128xf32, #tpu.memory_space<vmem>>
    %dma_start3A_269 = tpu.memref_squeeze %dma_start3A_268 : memref<1x128x128xf32, #tpu.memory_space<vmem>> -> memref<128x128xf32, #tpu.memory_space<vmem>>
    tpu.enqueue_dma source(%dma_start3A_269 : memref<128x128xf32, #tpu.memory_space<vmem>>) target(%dma_start3A_265 : memref<128x128xf32, #tpu.memory_space<hbm>>) target_semaphore(%arg19 : memref<!tpu.dma_semaphore, #tpu.memory_space<semaphore_mem>>)
    %dma_wait3A_270 = arith.constant 0 : i32
    %dma_wait3A_271 = arith.constant 0 : i32
    %dma_wait3A_272 = arith.constant 0 : i32
    %dma_wait3A_273 = arith.constant 0 : i32
    %dma_wait3A_274 = tpu.memref_slice %arg7[%dma_wait3A_270, %dma_wait3A_272, %dma_wait3A_273] : memref<6x128x128xf32, #tpu.memory_space<vmem>> -> memref<1x128x128xf32, #tpu.memory_space<vmem>>
    %dma_wait3A_275 = tpu.memref_squeeze %dma_wait3A_274 : memref<1x128x128xf32, #tpu.memory_space<vmem>> -> memref<128x128xf32, #tpu.memory_space<vmem>>
    %dma_wait3A_276 = arith.constant 0 : i32
    %dma_wait3A_277 = tpu.memref_slice %arg5[%dma_wait3A_271, %add3A_98, %dma_wait3A_276] : memref<3x8192x128xf32, #tpu.memory_space<hbm>> -> memref<1x128x128xf32, #tpu.memory_space<hbm>>
    %dma_wait3A_278 = tpu.memref_squeeze %dma_wait3A_277 : memref<1x128x128xf32, #tpu.memory_space<hbm>> -> memref<128x128xf32, #tpu.memory_space<hbm>>
    %dma_wait3A_279 = arith.constant 0 : i32
    %dma_wait3A_280 = tpu.memref_slice %arg5[%dma_wait3A_271, %add3A_98, %dma_wait3A_279] : memref<3x8192x128xf32, #tpu.memory_space<hbm>> -> memref<1x128x128xf32, #tpu.memory_space<hbm>>
    %dma_wait3A_281 = tpu.memref_squeeze %dma_wait3A_280 : memref<1x128x128xf32, #tpu.memory_space<hbm>> -> memref<128x128xf32, #tpu.memory_space<hbm>>
    %dma_wait3A_282 = arith.constant 0 : i32
    %dma_wait3A_283 = arith.constant 0 : i32
    %dma_wait3A_284 = tpu.memref_slice %arg7[%dma_wait3A_270, %dma_wait3A_282, %dma_wait3A_283] : memref<6x128x128xf32, #tpu.memory_space<vmem>> -> memref<1x128x128xf32, #tpu.memory_space<vmem>>
    %dma_wait3A_285 = tpu.memref_squeeze %dma_wait3A_284 : memref<1x128x128xf32, #tpu.memory_space<vmem>> -> memref<128x128xf32, #tpu.memory_space<vmem>>
    tpu.wait_dma2 semaphore(%arg14 : memref<!tpu.dma_semaphore, #tpu.memory_space<semaphore_mem>>) src(%dma_wait3A_285 : memref<128x128xf32, #tpu.memory_space<vmem>>) dst(%dma_wait3A_281 : memref<128x128xf32, #tpu.memory_space<hbm>>)
    %dma_wait3A_286 = arith.constant 1 : i32
    %dma_wait3A_287 = arith.constant 0 : i32
    %dma_wait3A_288 = arith.constant 0 : i32
    %dma_wait3A_289 = arith.constant 0 : i32
    %dma_wait3A_290 = tpu.memref_slice %arg7[%dma_wait3A_286, %dma_wait3A_288, %dma_wait3A_289] : memref<6x128x128xf32, #tpu.memory_space<vmem>> -> memref<1x128x128xf32, #tpu.memory_space<vmem>>
    %dma_wait3A_291 = tpu.memref_squeeze %dma_wait3A_290 : memref<1x128x128xf32, #tpu.memory_space<vmem>> -> memref<128x128xf32, #tpu.memory_space<vmem>>
    %dma_wait3A_292 = arith.constant 0 : i32
    %dma_wait3A_293 = tpu.memref_slice %arg5[%dma_wait3A_287, %add3A_129, %dma_wait3A_292] : memref<3x8192x128xf32, #tpu.memory_space<hbm>> -> memref<1x128x128xf32, #tpu.memory_space<hbm>>
    %dma_wait3A_294 = tpu.memref_squeeze %dma_wait3A_293 : memref<1x128x128xf32, #tpu.memory_space<hbm>> -> memref<128x128xf32, #tpu.memory_space<hbm>>
    %dma_wait3A_295 = arith.constant 0 : i32
    %dma_wait3A_296 = tpu.memref_slice %arg5[%dma_wait3A_287, %add3A_129, %dma_wait3A_295] : memref<3x8192x128xf32, #tpu.memory_space<hbm>> -> memref<1x128x128xf32, #tpu.memory_space<hbm>>
    %dma_wait3A_297 = tpu.memref_squeeze %dma_wait3A_296 : memref<1x128x128xf32, #tpu.memory_space<hbm>> -> memref<128x128xf32, #tpu.memory_space<hbm>>
    %dma_wait3A_298 = arith.constant 0 : i32
    %dma_wait3A_299 = arith.constant 0 : i32
    %dma_wait3A_300 = tpu.memref_slice %arg7[%dma_wait3A_286, %dma_wait3A_298, %dma_wait3A_299] : memref<6x128x128xf32, #tpu.memory_space<vmem>> -> memref<1x128x128xf32, #tpu.memory_space<vmem>>
    %dma_wait3A_301 = tpu.memref_squeeze %dma_wait3A_300 : memref<1x128x128xf32, #tpu.memory_space<vmem>> -> memref<128x128xf32, #tpu.memory_space<vmem>>
    tpu.wait_dma2 semaphore(%arg15 : memref<!tpu.dma_semaphore, #tpu.memory_space<semaphore_mem>>) src(%dma_wait3A_301 : memref<128x128xf32, #tpu.memory_space<vmem>>) dst(%dma_wait3A_297 : memref<128x128xf32, #tpu.memory_space<hbm>>)
    %dma_wait3A_302 = arith.constant 2 : i32
    %dma_wait3A_303 = arith.constant 1 : i32
    %dma_wait3A_304 = arith.constant 0 : i32
    %dma_wait3A_305 = arith.constant 0 : i32
    %dma_wait3A_306 = tpu.memref_slice %arg7[%dma_wait3A_302, %dma_wait3A_304, %dma_wait3A_305] : memref<6x128x128xf32, #tpu.memory_space<vmem>> -> memref<1x128x128xf32, #tpu.memory_space<vmem>>
    %dma_wait3A_307 = tpu.memref_squeeze %dma_wait3A_306 : memref<1x128x128xf32, #tpu.memory_space<vmem>> -> memref<128x128xf32, #tpu.memory_space<vmem>>
    %dma_wait3A_308 = arith.constant 0 : i32
    %dma_wait3A_309 = tpu.memref_slice %arg5[%dma_wait3A_303, %add3A_160, %dma_wait3A_308] : memref<3x8192x128xf32, #tpu.memory_space<hbm>> -> memref<1x128x128xf32, #tpu.memory_space<hbm>>
    %dma_wait3A_310 = tpu.memref_squeeze %dma_wait3A_309 : memref<1x128x128xf32, #tpu.memory_space<hbm>> -> memref<128x128xf32, #tpu.memory_space<hbm>>
    %dma_wait3A_311 = arith.constant 0 : i32
    %dma_wait3A_312 = tpu.memref_slice %arg5[%dma_wait3A_303, %add3A_160, %dma_wait3A_311] : memref<3x8192x128xf32, #tpu.memory_space<hbm>> -> memref<1x128x128xf32, #tpu.memory_space<hbm>>
    %dma_wait3A_313 = tpu.memref_squeeze %dma_wait3A_312 : memref<1x128x128xf32, #tpu.memory_space<hbm>> -> memref<128x128xf32, #tpu.memory_space<hbm>>
    %dma_wait3A_314 = arith.constant 0 : i32
    %dma_wait3A_315 = arith.constant 0 : i32
    %dma_wait3A_316 = tpu.memref_slice %arg7[%dma_wait3A_302, %dma_wait3A_314, %dma_wait3A_315] : memref<6x128x128xf32, #tpu.memory_space<vmem>> -> memref<1x128x128xf32, #tpu.memory_space<vmem>>
    %dma_wait3A_317 = tpu.memref_squeeze %dma_wait3A_316 : memref<1x128x128xf32, #tpu.memory_space<vmem>> -> memref<128x128xf32, #tpu.memory_space<vmem>>
    tpu.wait_dma2 semaphore(%arg16 : memref<!tpu.dma_semaphore, #tpu.memory_space<semaphore_mem>>) src(%dma_wait3A_317 : memref<128x128xf32, #tpu.memory_space<vmem>>) dst(%dma_wait3A_313 : memref<128x128xf32, #tpu.memory_space<hbm>>)
    %dma_wait3A_318 = arith.constant 3 : i32
    %dma_wait3A_319 = arith.constant 1 : i32
    %dma_wait3A_320 = arith.constant 0 : i32
    %dma_wait3A_321 = arith.constant 0 : i32
    %dma_wait3A_322 = tpu.memref_slice %arg7[%dma_wait3A_318, %dma_wait3A_320, %dma_wait3A_321] : memref<6x128x128xf32, #tpu.memory_space<vmem>> -> memref<1x128x128xf32, #tpu.memory_space<vmem>>
    %dma_wait3A_323 = tpu.memref_squeeze %dma_wait3A_322 : memref<1x128x128xf32, #tpu.memory_space<vmem>> -> memref<128x128xf32, #tpu.memory_space<vmem>>
    %dma_wait3A_324 = arith.constant 0 : i32
    %dma_wait3A_325 = tpu.memref_slice %arg5[%dma_wait3A_319, %add3A_191, %dma_wait3A_324] : memref<3x8192x128xf32, #tpu.memory_space<hbm>> -> memref<1x128x128xf32, #tpu.memory_space<hbm>>
    %dma_wait3A_326 = tpu.memref_squeeze %dma_wait3A_325 : memref<1x128x128xf32, #tpu.memory_space<hbm>> -> memref<128x128xf32, #tpu.memory_space<hbm>>
    %dma_wait3A_327 = arith.constant 0 : i32
    %dma_wait3A_328 = tpu.memref_slice %arg5[%dma_wait3A_319, %add3A_191, %dma_wait3A_327] : memref<3x8192x128xf32, #tpu.memory_space<hbm>> -> memref<1x128x128xf32, #tpu.memory_space<hbm>>
    %dma_wait3A_329 = tpu.memref_squeeze %dma_wait3A_328 : memref<1x128x128xf32, #tpu.memory_space<hbm>> -> memref<128x128xf32, #tpu.memory_space<hbm>>
    %dma_wait3A_330 = arith.constant 0 : i32
    %dma_wait3A_331 = arith.constant 0 : i32
    %dma_wait3A_332 = tpu.memref_slice %arg7[%dma_wait3A_318, %dma_wait3A_330, %dma_wait3A_331] : memref<6x128x128xf32, #tpu.memory_space<vmem>> -> memref<1x128x128xf32, #tpu.memory_space<vmem>>
    %dma_wait3A_333 = tpu.memref_squeeze %dma_wait3A_332 : memref<1x128x128xf32, #tpu.memory_space<vmem>> -> memref<128x128xf32, #tpu.memory_space<vmem>>
    tpu.wait_dma2 semaphore(%arg17 : memref<!tpu.dma_semaphore, #tpu.memory_space<semaphore_mem>>) src(%dma_wait3A_333 : memref<128x128xf32, #tpu.memory_space<vmem>>) dst(%dma_wait3A_329 : memref<128x128xf32, #tpu.memory_space<hbm>>)
    %dma_wait3A_334 = arith.constant 4 : i32
    %dma_wait3A_335 = arith.constant 2 : i32
    %dma_wait3A_336 = arith.constant 0 : i32
    %dma_wait3A_337 = arith.constant 0 : i32
    %dma_wait3A_338 = tpu.memref_slice %arg7[%dma_wait3A_334, %dma_wait3A_336, %dma_wait3A_337] : memref<6x128x128xf32, #tpu.memory_space<vmem>> -> memref<1x128x128xf32, #tpu.memory_space<vmem>>
    %dma_wait3A_339 = tpu.memref_squeeze %dma_wait3A_338 : memref<1x128x128xf32, #tpu.memory_space<vmem>> -> memref<128x128xf32, #tpu.memory_space<vmem>>
    %dma_wait3A_340 = arith.constant 0 : i32
    %dma_wait3A_341 = tpu.memref_slice %arg5[%dma_wait3A_335, %add3A_222, %dma_wait3A_340] : memref<3x8192x128xf32, #tpu.memory_space<hbm>> -> memref<1x128x128xf32, #tpu.memory_space<hbm>>
    %dma_wait3A_342 = tpu.memref_squeeze %dma_wait3A_341 : memref<1x128x128xf32, #tpu.memory_space<hbm>> -> memref<128x128xf32, #tpu.memory_space<hbm>>
    %dma_wait3A_343 = arith.constant 0 : i32
    %dma_wait3A_344 = tpu.memref_slice %arg5[%dma_wait3A_335, %add3A_222, %dma_wait3A_343] : memref<3x8192x128xf32, #tpu.memory_space<hbm>> -> memref<1x128x128xf32, #tpu.memory_space<hbm>>
    %dma_wait3A_345 = tpu.memref_squeeze %dma_wait3A_344 : memref<1x128x128xf32, #tpu.memory_space<hbm>> -> memref<128x128xf32, #tpu.memory_space<hbm>>
    %dma_wait3A_346 = arith.constant 0 : i32
    %dma_wait3A_347 = arith.constant 0 : i32
    %dma_wait3A_348 = tpu.memref_slice %arg7[%dma_wait3A_334, %dma_wait3A_346, %dma_wait3A_347] : memref<6x128x128xf32, #tpu.memory_space<vmem>> -> memref<1x128x128xf32, #tpu.memory_space<vmem>>
    %dma_wait3A_349 = tpu.memref_squeeze %dma_wait3A_348 : memref<1x128x128xf32, #tpu.memory_space<vmem>> -> memref<128x128xf32, #tpu.memory_space<vmem>>
    tpu.wait_dma2 semaphore(%arg18 : memref<!tpu.dma_semaphore, #tpu.memory_space<semaphore_mem>>) src(%dma_wait3A_349 : memref<128x128xf32, #tpu.memory_space<vmem>>) dst(%dma_wait3A_345 : memref<128x128xf32, #tpu.memory_space<hbm>>)
    %dma_wait3A_350 = arith.constant 5 : i32
    %dma_wait3A_351 = arith.constant 2 : i32
    %dma_wait3A_352 = arith.constant 0 : i32
    %dma_wait3A_353 = arith.constant 0 : i32
    %dma_wait3A_354 = tpu.memref_slice %arg7[%dma_wait3A_350, %dma_wait3A_352, %dma_wait3A_353] : memref<6x128x128xf32, #tpu.memory_space<vmem>> -> memref<1x128x128xf32, #tpu.memory_space<vmem>>
    %dma_wait3A_355 = tpu.memref_squeeze %dma_wait3A_354 : memref<1x128x128xf32, #tpu.memory_space<vmem>> -> memref<128x128xf32, #tpu.memory_space<vmem>>
    %dma_wait3A_356 = arith.constant 0 : i32
    %dma_wait3A_357 = tpu.memref_slice %arg5[%dma_wait3A_351, %add3A_253, %dma_wait3A_356] : memref<3x8192x128xf32, #tpu.memory_space<hbm>> -> memref<1x128x128xf32, #tpu.memory_space<hbm>>
    %dma_wait3A_358 = tpu.memref_squeeze %dma_wait3A_357 : memref<1x128x128xf32, #tpu.memory_space<hbm>> -> memref<128x128xf32, #tpu.memory_space<hbm>>
    %dma_wait3A_359 = arith.constant 0 : i32
    %dma_wait3A_360 = tpu.memref_slice %arg5[%dma_wait3A_351, %add3A_253, %dma_wait3A_359] : memref<3x8192x128xf32, #tpu.memory_space<hbm>> -> memref<1x128x128xf32, #tpu.memory_space<hbm>>
    %dma_wait3A_361 = tpu.memref_squeeze %dma_wait3A_360 : memref<1x128x128xf32, #tpu.memory_space<hbm>> -> memref<128x128xf32, #tpu.memory_space<hbm>>
    %dma_wait3A_362 = arith.constant 0 : i32
    %dma_wait3A_363 = arith.constant 0 : i32
    %dma_wait3A_364 = tpu.memref_slice %arg7[%dma_wait3A_350, %dma_wait3A_362, %dma_wait3A_363] : memref<6x128x128xf32, #tpu.memory_space<vmem>> -> memref<1x128x128xf32, #tpu.memory_space<vmem>>
    %dma_wait3A_365 = tpu.memref_squeeze %dma_wait3A_364 : memref<1x128x128xf32, #tpu.memory_space<vmem>> -> memref<128x128xf32, #tpu.memory_space<vmem>>
    tpu.wait_dma2 semaphore(%arg19 : memref<!tpu.dma_semaphore, #tpu.memory_space<semaphore_mem>>) src(%dma_wait3A_365 : memref<128x128xf32, #tpu.memory_space<vmem>>) dst(%dma_wait3A_361 : memref<128x128xf32, #tpu.memory_space<hbm>>)
    return
  }
}

module attributes {stable_mosaic.version = 14 : i64} {
  func.func @_tc_matmul_body(%arg0: i32, %arg1: memref<3x1024x128xf32, #tpu.memory_space<vmem>>, %arg2: memref<128x768xf32, #tpu.memory_space<vmem>>, %arg3: memref<768xf32, #tpu.memory_space<vmem>>, %arg4: memref<3x1024x768xf32, #tpu.memory_space<vmem>>) attributes {dimension_semantics = [#tpu.dimension_semantics<arbitrary>], iteration_bounds = array<i64: 8>, scalar_prefetch = 0 : i64, scratch_operands = 0 : i64, tpu.core_type = #tpu.core_type<tc>, window_params = [{transform_indices = @transform_0, window_bounds = array<i64: 3, 1024, 128>}, {pipeline_mode = #tpu.pipeline_mode<synchronous>, transform_indices = @transform_1, window_bounds = array<i64: 128, 768>}, {pipeline_mode = #tpu.pipeline_mode<synchronous>, transform_indices = @transform_2, window_bounds = array<i64: 768>}, {transform_indices = @transform_3, window_bounds = array<i64: 3, 1024, 768>}]} {
    %get3A = arith.constant 0 : index
    %get3A_0 = arith.constant 0 : index
    %get3A_1 = vector.load %arg2[%get3A, %get3A_0] : memref<128x768xf32, #tpu.memory_space<vmem>>, vector<128x768xf32>
    %get3A_2 = arith.constant 0 : index
    %get3A_3 = vector.load %arg3[%get3A_2] : memref<768xf32, #tpu.memory_space<vmem>>, vector<768xf32>
    %get3A_4 = arith.constant 0 : index
    %get3A_5 = arith.constant 0 : index
    %get3A_6 = arith.constant 0 : index
    %get3A_7 = vector.load %arg1[%get3A_4, %get3A_5, %get3A_6] : memref<3x1024x128xf32, #tpu.memory_space<vmem>>, vector<1x1024x128xf32>
    %get3A_8 = vector.shape_cast %get3A_7 : vector<1x1024x128xf32> to vector<1024x128xf32>
    %dot_general3A = arith.constant dense<0.000000e+00> : vector<1024x768xf32>
    %dot_general3A_9 = tpu.matmul %get3A_8, %get3A_1, %dot_general3A {dimension_numbers = #tpu.dot_dimension_numbers<[1], [0], [0], [1], [0, 0, 1, 1], [], []>, transpose_lhs_hint = false} : vector<1024x128xf32>, vector<128x768xf32>, vector<1024x768xf32> -> vector<1024x768xf32>
    %broadcast_in_dim3A = vector.shape_cast %get3A_3 : vector<768xf32> to vector<1x768xf32>
    %add3A = vector.broadcast %broadcast_in_dim3A : vector<1x768xf32> to vector<1024x768xf32>
    %add3A_10 = arith.addf %dot_general3A_9, %add3A : vector<1024x768xf32>
    %swap3A = arith.constant 0 : index
    %swap3A_11 = arith.constant 0 : index
    %swap3A_12 = arith.constant 0 : index
    %swap3A_13 = vector.load %arg4[%swap3A, %swap3A_11, %swap3A_12] : memref<3x1024x768xf32, #tpu.memory_space<vmem>>, vector<1x1024x768xf32>
    %swap3A_14 = vector.shape_cast %swap3A_13 : vector<1x1024x768xf32> to vector<1024x768xf32>
    %swap3A_15 = vector.shape_cast %add3A_10 : vector<1024x768xf32> to vector<1x1024x768xf32>
    tpu.vector_store %arg4[%swap3A, %swap3A_11, %swap3A_12], %swap3A_15 {strides = array<i32>} : memref<3x1024x768xf32, #tpu.memory_space<vmem>>, vector<1x1024x768xf32>,
    %get3A_16 = arith.constant 1 : index
    %get3A_17 = arith.constant 0 : index
    %get3A_18 = arith.constant 0 : index
    %get3A_19 = vector.load %arg1[%get3A_16, %get3A_17, %get3A_18] : memref<3x1024x128xf32, #tpu.memory_space<vmem>>, vector<1x1024x128xf32>
    %get3A_20 = vector.shape_cast %get3A_19 : vector<1x1024x128xf32> to vector<1024x128xf32>
    %dot_general3A_21 = arith.constant dense<0.000000e+00> : vector<1024x768xf32>
    %dot_general3A_22 = tpu.matmul %get3A_20, %get3A_1, %dot_general3A_21 {dimension_numbers = #tpu.dot_dimension_numbers<[1], [0], [0], [1], [0, 0, 1, 1], [], []>, transpose_lhs_hint = false} : vector<1024x128xf32>, vector<128x768xf32>, vector<1024x768xf32> -> vector<1024x768xf32>
    %broadcast_in_dim3A_23 = vector.shape_cast %get3A_3 : vector<768xf32> to vector<1x768xf32>
    %add3A_24 = vector.broadcast %broadcast_in_dim3A_23 : vector<1x768xf32> to vector<1024x768xf32>
    %add3A_25 = arith.addf %dot_general3A_22, %add3A_24 : vector<1024x768xf32>
    %swap3A_26 = arith.constant 1 : index
    %swap3A_27 = arith.constant 0 : index
    %swap3A_28 = arith.constant 0 : index
    %swap3A_29 = vector.load %arg4[%swap3A_26, %swap3A_27, %swap3A_28] : memref<3x1024x768xf32, #tpu.memory_space<vmem>>, vector<1x1024x768xf32>
    %swap3A_30 = vector.shape_cast %swap3A_29 : vector<1x1024x768xf32> to vector<1024x768xf32>
    %swap3A_31 = vector.shape_cast %add3A_25 : vector<1024x768xf32> to vector<1x1024x768xf32>
    tpu.vector_store %arg4[%swap3A_26, %swap3A_27, %swap3A_28], %swap3A_31 {strides = array<i32>} : memref<3x1024x768xf32, #tpu.memory_space<vmem>>, vector<1x1024x768xf32>,
    %get3A_32 = arith.constant 2 : index
    %get3A_33 = arith.constant 0 : index
    %get3A_34 = arith.constant 0 : index
    %get3A_35 = vector.load %arg1[%get3A_32, %get3A_33, %get3A_34] : memref<3x1024x128xf32, #tpu.memory_space<vmem>>, vector<1x1024x128xf32>
    %get3A_36 = vector.shape_cast %get3A_35 : vector<1x1024x128xf32> to vector<1024x128xf32>
    %dot_general3A_37 = arith.constant dense<0.000000e+00> : vector<1024x768xf32>
    %dot_general3A_38 = tpu.matmul %get3A_36, %get3A_1, %dot_general3A_37 {dimension_numbers = #tpu.dot_dimension_numbers<[1], [0], [0], [1], [0, 0, 1, 1], [], []>, transpose_lhs_hint = false} : vector<1024x128xf32>, vector<128x768xf32>, vector<1024x768xf32> -> vector<1024x768xf32>
    %broadcast_in_dim3A_39 = vector.shape_cast %get3A_3 : vector<768xf32> to vector<1x768xf32>
    %add3A_40 = vector.broadcast %broadcast_in_dim3A_39 : vector<1x768xf32> to vector<1024x768xf32>
    %add3A_41 = arith.addf %dot_general3A_38, %add3A_40 : vector<1024x768xf32>
    %swap3A_42 = arith.constant 2 : index
    %swap3A_43 = arith.constant 0 : index
    %swap3A_44 = arith.constant 0 : index
    %swap3A_45 = vector.load %arg4[%swap3A_42, %swap3A_43, %swap3A_44] : memref<3x1024x768xf32, #tpu.memory_space<vmem>>, vector<1x1024x768xf32>
    %swap3A_46 = vector.shape_cast %swap3A_45 : vector<1x1024x768xf32> to vector<1024x768xf32>
    %swap3A_47 = vector.shape_cast %add3A_41 : vector<1024x768xf32> to vector<1x1024x768xf32>
    tpu.vector_store %arg4[%swap3A_42, %swap3A_43, %swap3A_44], %swap3A_47 {strides = array<i32>} : memref<3x1024x768xf32, #tpu.memory_space<vmem>>, vector<1x1024x768xf32>,
    return
  }
  func.func @transform_0(%arg0: i32) -> (i32, i32, i32) {
    %c0_i32 = arith.constant 0 : i32
    %c0_i32_0 = arith.constant 0 : i32
    %c0_i32_1 = arith.constant 0 : i32
    return %c0_i32, %arg0, %c0_i32_0 : i32, i32, i32
  }
  func.func @transform_1(%arg0: i32) -> (i32, i32) {
    %c0_i32 = arith.constant 0 : i32
    %c0_i32_0 = arith.constant 0 : i32
    %c0_i32_1 = arith.constant 0 : i32
    return %c0_i32, %c0_i32_0 : i32, i32
  }
  func.func @transform_2(%arg0: i32) -> i32 {
    %c0_i32 = arith.constant 0 : i32
    %c0_i32_0 = arith.constant 0 : i32
    return %c0_i32 : i32
  }
  func.func @transform_3(%arg0: i32) -> (i32, i32, i32) {
    %add3A = arith.constant 0 : i32
    %add3A_0 = arith.addi %add3A, %arg0 : i32
    %c0_i32 = arith.constant 0 : i32
    %c0_i32_1 = arith.constant 0 : i32
    %c0_i32_2 = arith.constant 0 : i32
    return %c0_i32, %add3A_0, %c0_i32_1 : i32, i32, i32
  }
}

module attributes {stable_mosaic.version = 14 : i64} {
  func.func @_tc_matmul_body_acc(%arg0: i32, %arg1: memref<3x16384x768xf32, #tpu.memory_space<any>>, %arg2: memref<3x1024x128xf32, #tpu.memory_space<vmem>>, %arg3: memref<128x768xf32, #tpu.memory_space<vmem>>, %arg4: memref<768xf32, #tpu.memory_space<vmem>>, %arg5: memref<3x1024x768xf32, #tpu.memory_space<vmem>>) attributes {dimension_semantics = [#tpu.dimension_semantics<arbitrary>], iteration_bounds = array<i64: 8>, scalar_prefetch = 0 : i64, scratch_operands = 0 : i64, tpu.core_type = #tpu.core_type<tc>, window_params = [{}, {transform_indices = @transform_1, window_bounds = array<i64: 3, 1024, 128>}, {pipeline_mode = #tpu.pipeline_mode<synchronous>, transform_indices = @transform_2, window_bounds = array<i64: 128, 768>}, {pipeline_mode = #tpu.pipeline_mode<synchronous>, transform_indices = @transform_3, window_bounds = array<i64: 768>}, {transform_indices = @transform_4, window_bounds = array<i64: 3, 1024, 768>}]} {
    %get3A = arith.constant 0 : index
    %get3A_0 = arith.constant 0 : index
    %get3A_1 = vector.load %arg3[%get3A, %get3A_0] : memref<128x768xf32, #tpu.memory_space<vmem>>, vector<128x768xf32>
    %get3A_2 = arith.constant 0 : index
    %get3A_3 = vector.load %arg4[%get3A_2] : memref<768xf32, #tpu.memory_space<vmem>>, vector<768xf32>
    %get3A_4 = arith.constant 0 : index
    %get3A_5 = arith.constant 0 : index
    %get3A_6 = arith.constant 0 : index
    %get3A_7 = vector.load %arg2[%get3A_4, %get3A_5, %get3A_6] : memref<3x1024x128xf32, #tpu.memory_space<vmem>>, vector<1x1024x128xf32>
    %get3A_8 = vector.shape_cast %get3A_7 : vector<1x1024x128xf32> to vector<1024x128xf32>
    %dot_general3A = arith.constant dense<0.000000e+00> : vector<1024x768xf32>
    %dot_general3A_9 = tpu.matmul %get3A_8, %get3A_1, %dot_general3A {dimension_numbers = #tpu.dot_dimension_numbers<[1], [0], [0], [1], [0, 0, 1, 1], [], []>, transpose_lhs_hint = false} : vector<1024x128xf32>, vector<128x768xf32>, vector<1024x768xf32> -> vector<1024x768xf32>
    %broadcast_in_dim3A = vector.shape_cast %get3A_3 : vector<768xf32> to vector<1x768xf32>
    %add3A = vector.broadcast %broadcast_in_dim3A : vector<1x768xf32> to vector<1024x768xf32>
    %add3A_10 = arith.addf %dot_general3A_9, %add3A : vector<1024x768xf32>
    %swap3A = arith.constant 0 : index
    %swap3A_11 = arith.constant 0 : index
    %swap3A_12 = arith.constant 0 : index
    %swap3A_13 = vector.load %arg5[%swap3A, %swap3A_11, %swap3A_12] : memref<3x1024x768xf32, #tpu.memory_space<vmem>>, vector<1x1024x768xf32>
    %swap3A_14 = vector.shape_cast %swap3A_13 : vector<1x1024x768xf32> to vector<1024x768xf32>
    %swap3A_15 = vector.shape_cast %add3A_10 : vector<1024x768xf32> to vector<1x1024x768xf32>
    tpu.vector_store %arg5[%swap3A, %swap3A_11, %swap3A_12], %swap3A_15 {strides = array<i32>} : memref<3x1024x768xf32, #tpu.memory_space<vmem>>, vector<1x1024x768xf32>,
    %get3A_16 = arith.constant 1 : index
    %get3A_17 = arith.constant 0 : index
    %get3A_18 = arith.constant 0 : index
    %get3A_19 = vector.load %arg2[%get3A_16, %get3A_17, %get3A_18] : memref<3x1024x128xf32, #tpu.memory_space<vmem>>, vector<1x1024x128xf32>
    %get3A_20 = vector.shape_cast %get3A_19 : vector<1x1024x128xf32> to vector<1024x128xf32>
    %dot_general3A_21 = arith.constant dense<0.000000e+00> : vector<1024x768xf32>
    %dot_general3A_22 = tpu.matmul %get3A_20, %get3A_1, %dot_general3A_21 {dimension_numbers = #tpu.dot_dimension_numbers<[1], [0], [0], [1], [0, 0, 1, 1], [], []>, transpose_lhs_hint = false} : vector<1024x128xf32>, vector<128x768xf32>, vector<1024x768xf32> -> vector<1024x768xf32>
    %broadcast_in_dim3A_23 = vector.shape_cast %get3A_3 : vector<768xf32> to vector<1x768xf32>
    %add3A_24 = vector.broadcast %broadcast_in_dim3A_23 : vector<1x768xf32> to vector<1024x768xf32>
    %add3A_25 = arith.addf %dot_general3A_22, %add3A_24 : vector<1024x768xf32>
    %swap3A_26 = arith.constant 1 : index
    %swap3A_27 = arith.constant 0 : index
    %swap3A_28 = arith.constant 0 : index
    %swap3A_29 = vector.load %arg5[%swap3A_26, %swap3A_27, %swap3A_28] : memref<3x1024x768xf32, #tpu.memory_space<vmem>>, vector<1x1024x768xf32>
    %swap3A_30 = vector.shape_cast %swap3A_29 : vector<1x1024x768xf32> to vector<1024x768xf32>
    %swap3A_31 = vector.shape_cast %add3A_25 : vector<1024x768xf32> to vector<1x1024x768xf32>
    tpu.vector_store %arg5[%swap3A_26, %swap3A_27, %swap3A_28], %swap3A_31 {strides = array<i32>} : memref<3x1024x768xf32, #tpu.memory_space<vmem>>, vector<1x1024x768xf32>,
    %get3A_32 = arith.constant 2 : index
    %get3A_33 = arith.constant 0 : index
    %get3A_34 = arith.constant 0 : index
    %get3A_35 = vector.load %arg2[%get3A_32, %get3A_33, %get3A_34] : memref<3x1024x128xf32, #tpu.memory_space<vmem>>, vector<1x1024x128xf32>
    %get3A_36 = vector.shape_cast %get3A_35 : vector<1x1024x128xf32> to vector<1024x128xf32>
    %dot_general3A_37 = arith.constant dense<0.000000e+00> : vector<1024x768xf32>
    %dot_general3A_38 = tpu.matmul %get3A_36, %get3A_1, %dot_general3A_37 {dimension_numbers = #tpu.dot_dimension_numbers<[1], [0], [0], [1], [0, 0, 1, 1], [], []>, transpose_lhs_hint = false} : vector<1024x128xf32>, vector<128x768xf32>, vector<1024x768xf32> -> vector<1024x768xf32>
    %broadcast_in_dim3A_39 = vector.shape_cast %get3A_3 : vector<768xf32> to vector<1x768xf32>
    %add3A_40 = vector.broadcast %broadcast_in_dim3A_39 : vector<1x768xf32> to vector<1024x768xf32>
    %add3A_41 = arith.addf %dot_general3A_38, %add3A_40 : vector<1024x768xf32>
    %swap3A_42 = arith.constant 2 : index
    %swap3A_43 = arith.constant 0 : index
    %swap3A_44 = arith.constant 0 : index
    %swap3A_45 = vector.load %arg5[%swap3A_42, %swap3A_43, %swap3A_44] : memref<3x1024x768xf32, #tpu.memory_space<vmem>>, vector<1x1024x768xf32>
    %swap3A_46 = vector.shape_cast %swap3A_45 : vector<1x1024x768xf32> to vector<1024x768xf32>
    %swap3A_47 = vector.shape_cast %add3A_41 : vector<1024x768xf32> to vector<1x1024x768xf32>
    tpu.vector_store %arg5[%swap3A_42, %swap3A_43, %swap3A_44], %swap3A_47 {strides = array<i32>} : memref<3x1024x768xf32, #tpu.memory_space<vmem>>, vector<1x1024x768xf32>,
    return
  }
  func.func @transform_1(%arg0: i32) -> (i32, i32, i32) {
    %c0_i32 = arith.constant 0 : i32
    %c0_i32_0 = arith.constant 0 : i32
    %c0_i32_1 = arith.constant 0 : i32
    return %c0_i32, %arg0, %c0_i32_0 : i32, i32, i32
  }
  func.func @transform_2(%arg0: i32) -> (i32, i32) {
    %c0_i32 = arith.constant 0 : i32
    %c0_i32_0 = arith.constant 0 : i32
    %c0_i32_1 = arith.constant 0 : i32
    return %c0_i32, %c0_i32_0 : i32, i32
  }
  func.func @transform_3(%arg0: i32) -> i32 {
    %c0_i32 = arith.constant 0 : i32
    %c0_i32_0 = arith.constant 0 : i32
    return %c0_i32 : i32
  }
  func.func @transform_4(%arg0: i32) -> (i32, i32, i32) {
    %add3A = arith.constant 8 : i32
    %add3A_0 = arith.addi %add3A, %arg0 : i32
    %c0_i32 = arith.constant 0 : i32
    %c0_i32_1 = arith.constant 0 : i32
    %c0_i32_2 = arith.constant 0 : i32
    return %c0_i32, %add3A_0, %c0_i32_1 : i32, i32, i32
  }
}

</mosaic_0001>

<sc_bundles>
// kernel: kernel.6.cloned.1.call-start
scs
__scs_entry_jumppad:
0x0: {  	(pc) =	sbr.rel $0x88, $3  }
0x1: {  	(tag) =	ssettag $0x0;
	lr =	simm.s32 $0x1  }
0x2: {  	[smem:$0x3F9C] =	sst lr;
	_ =	strace $0xD0000000  }
0x3: {  	_ = 	snop  }
0x4: {  	_ = 	snop  }
0x5: {  	_ = 	snop  }
0x6: {  	_ = 	snop  }
0x7: {  	_ = 	snop  }
__scs_overlays_trampoline_lowered:
0x8: {  	[smem:$0x3FAB] =	sst s0  }
0x9: {  	[smem:$0x3FAC] =	sst s1  }
0xa: {  	[smem:$0x3FAD] =	sst s2  }
0xb: {  	[smem:$0x3FAE] =	sst s3  }
0xc: {  	[smem:$0x3FAF] =	sst s4  }
0xd: {  	[smem:$0x3FB0] =	sst s5  }
0xe: {  	[smem:$0x3FB1] =	sst s6  }
0xf: {  	[smem:$0x3FB2] =	sst s7  }
0x10: {  	[smem:$0x3FB3] =	sst s8  }
0x11: {  	[smem:$0x3FB4] =	sst s9;
	s0 =	simm.s32 @!p0 $0x0  }
0x12: {  	s1 =	sld [smem:$0x3F9A];
	s0 =	simm.s32 @p0 $0x1  }
0x13: {  	[smem:$0x3FB5] =	sst s0;
	s0 =	simm.s32 @!p1 $0x0  }
0x14: {  	s2 =	sld [smem:$0x3F99];
	s0 =	simm.s32 @p1 $0x1  }
0x15: {  	[smem:$0x3FB6] =	sst s0;
	s0 =	simm.s32 @!p2 $0x0  }
0x16: {  	s3 =	sld [smem:$0x3FDB];
	s0 =	simm.s32 @p2 $0x1  }
0x17: {  	s4 =	simm.s32 $0x1BF5;
	[smem:$0x3FB8] =	sst s0  }
0x18: {  	s0 =	sld [smem:$0x3F9B];
	_ =	swait.ge [sflag:s4], $0x0  }
0x19: {  	s7 =	sld [smem:$0x3F9C]  }
0x1a: {  	s8 =	sadd.s32 $0xFFFFE003, lr  }
0x1b: {  	s9 =	sadd.s32 $0xFFFFFEF7, lr;
	s5 =	simm.s32 $0xFFFFFFFF;
	p2 =	slt.u32 s8, $0xFFFFF086  }
0x1c: {  	p1 =	slt.u32 s9, $0xF7A;
	s5 =	simm.s32 @!p2 $0x0  }
0x1d: {  	s5 =	simm.s32 @p1 $0x1;
	p0 =	seq.s32 s7, s2  }
0x1e: {  	s7 =	smul.u32 @!p0 $0xF7A, s2;
	p2 =	seq.s32 @!p0 s5, $0x0  }
0x1f: {  	s9 =	smul.u32 $0xF7A, s1;
	s8 =	simm.s32 @!p0 $0x1BF5;
	p2 =	por !p2, p0  }
0x20: {  	[sflag:s8] =	ssyncset.s32 @!p0 $0xFFFFF086;
	s6 =	sadd.s32 @!p0 s3, s7;
	s7 =	simm.s32 @!p0 $0x108  }
0x21: {  	s3 =	sadd.s32 s3, s9;
	s6 =	sadd.s32 @!p0 $0x88, s6;
	s7 =	simm.s32 @p2 $0x1082  }
0x22: {  	[simem:s7], [sflag:s8] =	dma.local @!p0 [hbm:s6], $0xF7A  }
0x23: {  	s9 =	sor.u32 $0xD0000000, s2;
	s6 =	simm.s32 $0x108;
	_ =	swait.ge @!p0 [sflag:s8], $0x0  }
0x24: {  	s3 =	sadd.s32 $0x88, s3;
	s6 =	simm.s32 @!p1 $0x1082;
	[sflag:s4] =	ssyncset.s32 $0xFFFFF086  }
0x25: {  	[simem:s6], [sflag:s4] =	dma.local [hbm:s3], $0xF7A  }
0x26: {  	[smem:$0x3F9C] =	sst s1;
	(tag) =	ssettag s2;
	_ =	strace s9  }
0x27: {  	s1 =	sld [smem:$0x3FAC]  }
0x28: {  	s2 =	sld [smem:$0x3FAD]  }
0x29: {  	s4 =	sld [smem:$0x3FAF]  }
0x2a: {  	p0 =	seq.s32 s5, $0x0;
	s5 =	sld [smem:$0x3FB0]  }
0x2b: {  	s6 =	sld [smem:$0x3FB1]  }
0x2c: {  	s7 =	sld [smem:$0x3FB2]  }
0x2d: {  	s3 =	simm.s32 $0x108;
	s8 =	sld [smem:$0x3FB3]  }
0x2e: {  	s3 =	simm.s32 @!p0 $0x1082;
	s9 =	sld [smem:$0x3FB4]  }
0x2f: {  	lr =	sadd.s32 s0, s3;
	s0 =	sld [smem:$0x3FAB]  }
0x30: {  	s3 =	sld [smem:$0x3FAE]  }
0x31: {  	[smem:$0x3FB7] =	sst s10  }
0x32: {  	s10 =	sld [smem:$0x3FB5];
	_ =	sdelay $0x3  }
0x33: {  	p0 =	seq.s32 s10, $0x1;
	s10 =	sld [smem:$0x3FB7];
	_ =	sdelay $0x3  }
0x34: {  	[smem:$0x3FB7] =	sst s10  }
0x35: {  	s10 =	sld [smem:$0x3FB6];
	_ =	sdelay $0x3  }
0x36: {  	p1 =	seq.s32 s10, $0x1;
	s10 =	sld [smem:$0x3FB7];
	_ =	sdelay $0x3  }
0x37: {  	[smem:$0x3FB7] =	sst s10  }
0x38: {  	s10 =	sld [smem:$0x3FB8]  }
0x39: {  	_ = 	snop;
	(pc) =	sbr.ind lr, $3  }
0x3a: {  	_ = 	snop  }
0x3b: {  	_ = 	snop  }
0x3c: {  	p2 =	seq.s32 s10, $0x1;
	s10 =	sld [smem:$0x3FB7]  }
0x3d: {  	_ =	shalt  }
0x3e: {  	_ =	shalt  }
0x3f: {  	_ =	shalt  }
0x40: {  	_ =	shalt  }
0x41: {  	_ =	shalt  }
0x42: {  	_ =	shalt  }
0x43: {  	_ =	shalt  }
0x44: {  	_ =	shalt  }
0x45: {  	_ =	shalt  }
0x46: {  	_ =	shalt  }
0x47: {  	_ =	shalt  }
0x48: {  	_ =	shalt  }
0x49: {  	_ =	shalt  }
0x4a: {  	_ =	shalt  }
0x4b: {  	_ =	shalt  }
0x4c: {  	_ =	shalt  }
0x4d: {  	_ =	shalt  }
0x4e: {  	_ =	shalt  }
0x4f: {  	_ =	shalt  }
0x50: {  	_ =	shalt  }
0x51: {  	_ =	shalt  }
0x52: {  	_ =	shalt  }
0x53: {  	_ =	shalt  }
0x54: {  	_ =	shalt  }
0x55: {  	_ =	shalt  }
0x56: {  	_ =	shalt  }
0x57: {  	_ =	shalt  }
0x58: {  	_ =	shalt  }
0x59: {  	_ =	shalt  }
0x5a: {  	_ =	shalt  }
0x5b: {  	_ =	shalt  }
0x5c: {  	_ =	shalt  }
0x5d: {  	_ =	shalt  }
0x5e: {  	_ =	shalt  }
0x5f: {  	_ =	shalt  }
0x60: {  	_ =	shalt  }
0x61: {  	_ =	shalt  }
0x62: {  	_ =	shalt  }
0x63: {  	_ =	shalt  }
0x64: {  	_ =	shalt  }
0x65: {  	_ =	shalt  }
0x66: {  	_ =	shalt  }
0x67: {  	_ =	shalt  }
0x68: {  	_ =	shalt  }
0x69: {  	_ =	shalt  }
0x6a: {  	_ =	shalt  }
0x6b: {  	_ =	shalt  }
0x6c: {  	_ =	shalt  }
0x6d: {  	_ =	shalt  }
0x6e: {  	_ =	shalt  }
0x6f: {  	_ =	shalt  }
0x70: {  	_ =	shalt  }
0x71: {  	_ =	shalt  }
0x72: {  	_ =	shalt  }
0x73: {  	_ =	shalt  }
0x74: {  	_ =	shalt  }
0x75: {  	_ =	shalt  }
0x76: {  	_ =	shalt  }
0x77: {  	_ =	shalt  }
0x78: {  	_ =	shalt  }
0x79: {  	_ =	shalt  }
0x7a: {  	_ =	shalt  }
0x7b: {  	_ =	shalt  }
0x7c: {  	_ =	shalt  }
0x7d: {  	_ =	shalt  }
0x7e: {  	_ =	shalt  }
0x7f: {  	_ =	shalt  }
0x80: {  	_ =	shalt  }
0x81: {  	_ =	shalt  }
0x82: {  	_ =	shalt  }
0x83: {  	_ =	shalt  }
0x84: {  	_ =	shalt  }
0x85: {  	_ =	shalt  }
0x86: {  	_ =	shalt  }
0x87: {  	_ =	shalt  }
.Lfunc_end0:
.L_simem_size_0:
called_computation_lowered:
.L_overlay_start_0:
0x88: {  	s2 =	sld [smem:$0x3FD9]  }
0x89: {  	s3 =	sld [smem:$0x3FFE];
	_ =	sdelay $0x1  }
0x8a: {  	s1 =	srdreg.scid  }
0x8b: {  	s0 =	sand.u32 $0x1, s1  }
0x8c: {  	s17 =	sshll.u32 s0, $0xA;
	s2 =	sadd.s32 s3, s2  }
0x8d: {  	s2 =	sadd.s32 s2, s17  }
0x8e: {  	[smem:$0x3FC3] =	sst s2  }
0x8f: {  	_ = 	snop  }
0x90: {  	s2 =	sld [smem:$0x3FC8]  }
0x91: {  	s18 =	sld [smem:$0x3FC7]  }
0x92: {  	s4 =	sld [smem:$0x3FD0];
	(tm) =	ssettm $0x1  }
0x93: {  	s5 =	sld [smem:$0x3FFB];
	_ =	sdelay $0x3  }
0x94: {  	_ =	strace s5  }
0x95: {  	s5 =	sld [smem:$0x3FFC];
	_ =	sdelay $0x3  }
0x96: {  	_ =	strace s5  }
0x97: {  	s5 =	sld [smem:$0x3FFD];
	_ =	sdelay $0x3  }
0x98: {  	_ =	strace s5  }
0x99: {  	_ =	strace $0x8FFFFFFF  }
0x9a: {  	s19 =	sld [smem:$0x3FDB];
	_ =	sdelay $0x1  }
0x9b: {  	s6 =	simm.s32 $_scs_section_size  }
0x9c: {  	s7 =	simm.s32 $_size__tile_overlayer_lowered;
	s8 =	simm.s32 $_tile_overlayer_lowered  }
0x9d: {  	s22 =	simm.s32 $0x1BFF;
	s21 =	sshll.u32 s8, $0x1;
	s5 =	sadd.s32 s6, s19  }
0x9e: {  	s9 =	simm.s32 $0x0;
	s20 =	sshll.u32 s7, $0x1;
	s7 =	sadd.s32 s21, s5  }
0x9f: {  	[timem:s9], [sflag:s22] =	dma.local [hbm:s7], s20  }
0xa0: {  	_ =	swait.ge [sflag:s22], s20  }
0xa1: {  	s6 =	ssub.s32 $0x0, s20;
	[sflag:s22] =	ssyncset.done $0x0  }
0xa2: {  	[sflag:s22] =	ssyncadd.s32 s6;
	_ =	sdelay $0x1  }
0xa3: {  	s23 =	simm.s32 $0x1B8B  }
0xa4: {  	_ =	swait.ge [sflag:s23], $0x1  }
0xa5: {  	[sflag:s23] =	ssyncset.done $0x0  }
0xa6: {  	s25 =	simm.s32 $0x1B8E;
	s24 =	sld [smem:$0x3FFE];
	[sflag:s23] =	ssyncadd.s32 $0xFFFFFFFF  }
0xa7: {  	s26 =	simm.s32 $execute0_lowered;
	[smem:$0x3FD2] =	sst s25  }
0xa8: {  	s7 =	sshll.u32 s26, $0x1;
	_ =	strace $0x80000046;
	[dreg:$0x1] =	wrdreg $0xFFFFFFFF  }
0xa9: {  	s28 =	simm.s32 $_size_execute0_lowered;
	s5 =	sadd.s32 s5, s7;
	[dreg:$0x0] =	wrdreg $0x0  }
0xaa: {  	s7 =	sshll.u32 s28, $0x1;
	[dreg:$0x2] =	wrdreg s5  }
0xab: {  	[dreg:$0x3] =	wrdreg s7  }
0xac: {  	[dreg:$0x4] =	wrdreg $0xC0  }
0xad: {  	_ =	task [dreg:s9], $0x5FFFF  }
0xae: {  	[dreg:$0x1] =	wrdreg $0xFFFFFFFF  }
0xaf: {  	[dreg:$0x0] =	wrdreg $0x60  }
0xb0: {  	[dreg:$0x2] =	wrdreg s24  }
0xb1: {  	[dreg:$0x3] =	wrdreg s2  }
0xb2: {  	[dreg:$0x4] =	wrdreg s18  }
0xb3: {  	[dreg:$0x5] =	wrdreg s4  }
0xb4: {  	[dreg:$0x6] =	wrdreg $0x9  }
0xb5: {  	_ =	task.clear_ibuf [dreg:s9], $0x7FFFF;
	_ =	strace $0x90000046  }
0xb6: {  	s29 =	simm.s32 $0x9;
	_ =	strace $0x80000048  }
0xb7: {  	_ =	swait.ge [sflag:s29], $0x1  }
0xb8: {  	[sflag:s29] =	ssyncadd.s32 $0xFFFFFFFF  }
0xb9: {  	_ =	strace $0x90000048  }
0xba: {  	_ =	sfence  }
0xbb: {  	s30 =	sld [smem:$0x0];
	_ =	sdelay $0x2  }
0xbc: {  	s31 =	sshll.u32 s1, $0xD;
	s1 =	sshrl.u32 s1, $0x2  }
0xbd: {  	s3 =	sand.u32 $0x4000, s31;
	s1 =	sadd.s32 s1, s30  }
0xbe: {  	s0 =	sor.u32 s3, s0;
	s1 =	sshll.u32 s1, $0x11  }
0xbf: {  	s0 =	sor.u32 s1, s0  }
0xc0: {  	s0 =	sadd.s32 $0x8F2B, s0  }
0xc1: {  	[sflag:s0] =	ssyncadd.remote.s32 $0x1  }
0xc2: {  	_ =	sfence.sel $0xFFFF  }
0xc3: {  	[dreg:$0x0] =	wrdreg $0xFFFFFFFF;
	(pc) =	sbr.abs _section_cstart, $3  }
0xc4: {  	[dreg:$0x1] =	wrdreg $0xFFFFFFFF  }
0xc5: {  	_ =	task.clear_ibuf [dreg:s9], $0x2FFFF;
	_ =	strace $0x9FFFFFFF  }
0xc6: {  	(tm) =	ssettm $0x7FFFFFFF  }
0xc7: {  	_ =	shalt  }
tec
execute0_lowered:
.L_overlay_start_1:
0x0: {  	(tag) =	ssettag $0x1  }
0x1: {  	s0 =	rddreg [dreg:$0x0]  }
0x2: {  	s1 =	srdreg.scid;
	s3 =	rddreg [dreg:$0x1]  }
0x3: {  	s2 =	stileid.u32;
	s4 =	rddreg [dreg:$0x2]  }
0x4: {  	s6 =	rddreg [dreg:$0x3];
	s28 =	simm.s32 $0xD;
	s25 =	simm.s32 $0x100  }
0x5: {  	s23 =	simm.s32 $0x200;
	s24 =	simm.s32 $0x80;
	s21 =	simm.s32 $0x300  }
0x6: {  	s19 =	simm.s32 $0x4300;
	s17 =	simm.s32 $0x8300;
	s29 =	simm.s32 $0x180  }
0x7: {  	s31 =	simm.s32 $0x280;
	s9 =	simm.s32 $0x14300;
	s30 =	simm.s32 $0x1  }
0x8: {  	s26 =	simm.s32 $0x2;
	s22 =	simm.s32 $0x3;
	s20 =	simm.s32 $0x4  }
0x9: {  	s18 =	simm.s32 $0x5;
	p0 =	por $0x0, $0x0;
	s1 =	sand.u32 $0x1, s1  }
0xa: {  	s8 =	simm.s32 $0xB;
	s2 =	sshll.u32 s2, $0x9;
	s5 =	sshll.u32 s1, $0x8  }
0xb: {  	s1 =	ssub.s32 $0x2, s1;
	s5 =	sor.u32 s5, s2;
	s2 =	simm.s32 $0x0  }
0xc: {  	s14 =	sshrl.u32 s1, $0x1;
	s7 =	sshrl.u32 s5, $0x3;
	[smem:$0x7FF] =	sst s2  }
0xd: {  	s5 =	sshll.u32 s5, $0x4;
	s1 =	ssub.s32 s1, s14;
	s0 =	sadd.s32 s7, s0  }
0xe: {  	s14 =	simm.s32 $0xC300;
	_ =	strace $0x80000047;
	s7 =	sadd.s32 $0x1200, s0  }
0xf: {  	s16 =	smax.u32 s1, $0x1;
	s10 =	sadd.s32 $0x1600, s0;
	[dreg:$0x5] =	wrdreg s7  }
0x10: {  	s0 =	sadd.s32 $0x1A00, s0;
	p1 =	sne.s32 s16, $0x1;
	[dreg:$0x6] =	wrdreg s10  }
0x11: {  	s1 =	sadd.s32 $0xFFFFFFFF, s16;
	s7 =	sadd.s32 s6, s5;
	[dreg:$0x7] =	wrdreg s0  }
0x12: {  	s16 =	simm.s32 $0x7;
	s11 =	sadd.s32 $0x800, s7;
	s0 =	rddreg [dreg:$0x5]  }
.Ltmp0:
0x13: {  	s12 =	sadd.s32 $0x20000, s7;
	[dreg:$0x8] =	wrdreg s11;
	(pc) =	sbr.rel @!p1 .LBB2_3-.Ltmp0, $4  }
0x14: {  	s10 =	simm.s32 $0xA;
	s13 =	sadd.s32 $0x20800, s7;
	[dreg:$0x9] =	wrdreg s12  }
0x15: {  	s6 =	simm.s32 $0xC;
	s15 =	sadd.s32 $0x40000, s7;
	[dreg:$0xa] =	wrdreg s13  }
0x16: {  	s5 =	sadd.s32 $0x40800, s7;
	[dreg:$0xb] =	wrdreg s15;
	s11 =	simm.s32 $0x10300  }
0x17: {  	s15 =	simm.s32 $0x6;
	s13 =	simm.s32 $0x8;
	s12 =	simm.s32 $0x9  }
0x18: {  	[tilespmem:s2], [sflag:$0xD] =	stream.linear.gather [hbm4b:s0+s2], $0x100, $0x38;
	[tilespmem:$0x18300] =	vst v63  }
0x19: {  	_ =	swait.ge [sflag:s28], $0x100  }
0x1a: {  	[sflag:s28] =	ssyncset.done $0x0  }
0x1b: {  	s0 =	rddreg [dreg:$0x6];
	[sflag:s28] =	ssyncadd.s32 $0xFFFFFF00  }
0x1c: {  	[tilespmem:s25], [sflag:$0xD] =	stream.linear.gather [hbm4b:s0+s2], $0x100, $0x38;
	[tilespmem:$0x18300] =	vst v63  }
0x1d: {  	_ =	swait.ge [sflag:s28], $0x100  }
0x1e: {  	[sflag:s28] =	ssyncset.done $0x0  }
0x1f: {  	s0 =	rddreg [dreg:$0x7];
	[sflag:s28] =	ssyncadd.s32 $0xFFFFFF00  }
0x20: {  	[tilespmem:s23], [sflag:$0xD] =	stream.linear.gather [hbm4b:s0+s2], $0x100, $0x38;
	[tilespmem:$0x18300] =	vst v63  }
0x21: {  	_ =	swait.ge [sflag:s28], $0x100  }
0x22: {  	[sflag:s28] =	ssyncset.done $0x0  }
0x23: {  	[sflag:s28] =	ssyncadd.s32 $0xFFFFFF00  }
0x24: {  	[tilespmem:s21], [sflag:$0x1] =	stream.indirect.gather [hbm4b:s3+s24], $0x80, s2, s24, $0xb8;
	[tilespmem:$0x18300] =	vst v63  }
0x25: {  	_ = 	snop  }
0x26: {  	[tilespmem:s19], [sflag:$0x2] =	stream.indirect.gather [hbm4b:s3+s24], $0x80, s24, s24, $0xb8;
	[tilespmem:$0x18300] =	vst v63  }
0x27: {  	_ = 	snop  }
0x28: {  	[tilespmem:s17], [sflag:$0x3] =	stream.indirect.gather [hbm4b:s4+s24], $0x80, s25, s24, $0xb8;
	[tilespmem:$0x18300] =	vst v63  }
0x29: {  	_ = 	snop  }
0x2a: {  	[tilespmem:s14], [sflag:$0x4] =	stream.indirect.gather [hbm4b:s4+s24], $0x80, s29, s24, $0xb8;
	[tilespmem:$0x18300] =	vst v63  }
0x2b: {  	_ = 	snop  }
0x2c: {  	[tilespmem:s11], [sflag:$0x5] =	stream.indirect.gather [hbm4b:s3+s24], $0x80, s23, s24, $0xb8;
	[tilespmem:$0x18300] =	vst v63  }
0x2d: {  	_ = 	snop  }
0x2e: {  	[tilespmem:s9], [sflag:$0x6] =	stream.indirect.gather [hbm4b:s3+s24], $0x80, s31, s24, $0xb8;
	[tilespmem:$0x18300] =	vst v63  }
0x2f: {  	_ =	swait.ge [sflag:s30], $0x4000  }
0x30: {  	[sflag:s30] =	ssyncset.done $0x0  }
0x31: {  	[sflag:s30] =	ssyncadd.s32 $0xFFFFC000  }
0x32: {  	[hbm4b:s7+s2] =	stream.linear.scatter [tilespmem:s21], [sflag:$0x7], $0x4000, $0x38;
	[tilespmem:$0x18300] =	vst v63  }
0x33: {  	_ =	swait.ge [sflag:s26], $0x4000  }
0x34: {  	[sflag:s26] =	ssyncset.done $0x0  }
0x35: {  	s0 =	rddreg [dreg:$0x8];
	[sflag:s26] =	ssyncadd.s32 $0xFFFFC000  }
0x36: {  	[hbm4b:s0+s2] =	stream.linear.scatter [tilespmem:s19], [sflag:$0x8], $0x4000, $0x38;
	[tilespmem:$0x18300] =	vst v63  }
0x37: {  	_ =	swait.ge [sflag:s22], $0x4000  }
0x38: {  	[sflag:s22] =	ssyncset.done $0x0  }
0x39: {  	s0 =	rddreg [dreg:$0x9];
	[sflag:s22] =	ssyncadd.s32 $0xFFFFC000  }
0x3a: {  	[hbm4b:s0+s2] =	stream.linear.scatter [tilespmem:s17], [sflag:$0x9], $0x4000, $0x38;
	[tilespmem:$0x18300] =	vst v63  }
0x3b: {  	_ =	swait.ge [sflag:s20], $0x4000  }
0x3c: {  	[sflag:s20] =	ssyncset.done $0x0  }
0x3d: {  	s0 =	rddreg [dreg:$0xa];
	[sflag:s20] =	ssyncadd.s32 $0xFFFFC000  }
0x3e: {  	[hbm4b:s0+s2] =	stream.linear.scatter [tilespmem:s14], [sflag:$0xA], $0x4000, $0x38;
	[tilespmem:$0x18300] =	vst v63  }
0x3f: {  	_ =	swait.ge [sflag:s18], $0x4000  }
0x40: {  	[sflag:s18] =	ssyncset.done $0x0  }
0x41: {  	s0 =	rddreg [dreg:$0xb];
	[sflag:s18] =	ssyncadd.s32 $0xFFFFC000  }
0x42: {  	[hbm4b:s0+s2] =	stream.linear.scatter [tilespmem:s11], [sflag:$0xB], $0x4000, $0x38;
	[tilespmem:$0x18300] =	vst v63  }
0x43: {  	_ =	swait.ge [sflag:s15], $0x4000  }
0x44: {  	[sflag:s15] =	ssyncset.done $0x0  }
0x45: {  	[sflag:s15] =	ssyncadd.s32 $0xFFFFC000  }
0x46: {  	[hbm4b:s5+s2] =	stream.linear.scatter [tilespmem:s9], [sflag:$0xC], $0x4000, $0x38;
	[tilespmem:$0x18300] =	vst v63  }
0x47: {  	_ =	swait.ge [sflag:s16], $0x4000  }
0x48: {  	[sflag:s16] =	ssyncset.done $0x0  }
0x49: {  	[sflag:s16] =	ssyncadd.s32 $0xFFFFC000  }
0x4a: {  	_ =	swait.ge [sflag:s13], $0x4000  }
0x4b: {  	[sflag:s13] =	ssyncset.done $0x0  }
0x4c: {  	[sflag:s13] =	ssyncadd.s32 $0xFFFFC000  }
0x4d: {  	_ =	swait.ge [sflag:s12], $0x4000  }
0x4e: {  	[sflag:s12] =	ssyncset.done $0x0  }
0x4f: {  	[sflag:s12] =	ssyncadd.s32 $0xFFFFC000  }
0x50: {  	_ =	swait.ge [sflag:s10], $0x4000  }
0x51: {  	[sflag:s10] =	ssyncset.done $0x0  }
0x52: {  	p1 =	sne.s32 s1, $0x1;
	[sflag:s10] =	ssyncadd.s32 $0xFFFFC000  }
.Ltmp1:
0x53: {  	_ =	swait.ge [sflag:s8], $0x4000;
	(pc) =	sbr.rel @!p1 .LBB2_3-.Ltmp1, $4  }
0x54: {  	[sflag:s8] =	ssyncset.done $0x0  }
0x55: {  	[sflag:s8] =	ssyncadd.s32 $0xFFFFC000  }
0x56: {  	s1 =	sadd.s32 $0xFFFFFFFF, s1;
	_ =	swait.ge [sflag:s6], $0x4000  }
0x57: {  	p0 =	por $0x1, $0x1;
	s0 =	rddreg [dreg:$0x5];
	[sflag:s6] =	ssyncset.done $0x0  }
.LBB2_2:
0x58: {  	[sflag:s6] =	ssyncadd.s32 $0xFFFFC000  }
0x59: {  	[tilespmem:s2], [sflag:$0xD] =	stream.linear.gather [hbm4b:s0+s2], $0x100, $0x38;
	[tilespmem:$0x18300] =	vst v63  }
0x5a: {  	_ =	swait.ge [sflag:s28], $0x100  }
0x5b: {  	[sflag:s28] =	ssyncset.done $0x0  }
0x5c: {  	s0 =	rddreg [dreg:$0x6];
	[sflag:s28] =	ssyncadd.s32 $0xFFFFFF00  }
0x5d: {  	[tilespmem:s25], [sflag:$0xD] =	stream.linear.gather [hbm4b:s0+s2], $0x100, $0x38;
	[tilespmem:$0x18300] =	vst v63  }
0x5e: {  	_ =	swait.ge [sflag:s28], $0x100  }
0x5f: {  	[sflag:s28] =	ssyncset.done $0x0  }
0x60: {  	s0 =	rddreg [dreg:$0x7];
	[sflag:s28] =	ssyncadd.s32 $0xFFFFFF00  }
0x61: {  	[tilespmem:s23], [sflag:$0xD] =	stream.linear.gather [hbm4b:s0+s2], $0x100, $0x38;
	[tilespmem:$0x18300] =	vst v63  }
0x62: {  	_ =	swait.ge [sflag:s28], $0x100  }
0x63: {  	[sflag:s28] =	ssyncset.done $0x0  }
0x64: {  	[sflag:s28] =	ssyncadd.s32 $0xFFFFFF00  }
0x65: {  	[tilespmem:s21], [sflag:$0x1] =	stream.indirect.gather [hbm4b:s3+s24], $0x80, s2, s24, $0xb8;
	[tilespmem:$0x18300] =	vst v63  }
0x66: {  	_ = 	snop  }
0x67: {  	[tilespmem:s19], [sflag:$0x2] =	stream.indirect.gather [hbm4b:s3+s24], $0x80, s24, s24, $0xb8;
	[tilespmem:$0x18300] =	vst v63  }
0x68: {  	_ = 	snop  }
0x69: {  	[tilespmem:s17], [sflag:$0x3] =	stream.indirect.gather [hbm4b:s4+s24], $0x80, s25, s24, $0xb8;
	[tilespmem:$0x18300] =	vst v63  }
0x6a: {  	_ = 	snop  }
0x6b: {  	[tilespmem:s14], [sflag:$0x4] =	stream.indirect.gather [hbm4b:s4+s24], $0x80, s29, s24, $0xb8;
	[tilespmem:$0x18300] =	vst v63  }
0x6c: {  	_ = 	snop  }
0x6d: {  	[tilespmem:s11], [sflag:$0x5] =	stream.indirect.gather [hbm4b:s3+s24], $0x80, s23, s24, $0xb8;
	[tilespmem:$0x18300] =	vst v63  }
0x6e: {  	_ = 	snop  }
0x6f: {  	[tilespmem:s9], [sflag:$0x6] =	stream.indirect.gather [hbm4b:s3+s24], $0x80, s31, s24, $0xb8;
	[tilespmem:$0x18300] =	vst v63  }
0x70: {  	_ =	swait.ge [sflag:s30], $0x4000  }
0x71: {  	[sflag:s30] =	ssyncset.done $0x0  }
0x72: {  	[sflag:s30] =	ssyncadd.s32 $0xFFFFC000  }
0x73: {  	[hbm4b:s7+s2] =	stream.linear.scatter [tilespmem:s21], [sflag:$0x7], $0x4000, $0x38;
	[tilespmem:$0x18300] =	vst v63  }
0x74: {  	_ =	swait.ge [sflag:s26], $0x4000  }
0x75: {  	[sflag:s26] =	ssyncset.done $0x0  }
0x76: {  	s0 =	rddreg [dreg:$0x8];
	[sflag:s26] =	ssyncadd.s32 $0xFFFFC000  }
0x77: {  	[hbm4b:s0+s2] =	stream.linear.scatter [tilespmem:s19], [sflag:$0x8], $0x4000, $0x38;
	[tilespmem:$0x18300] =	vst v63  }
0x78: {  	_ =	swait.ge [sflag:s22], $0x4000  }
0x79: {  	[sflag:s22] =	ssyncset.done $0x0  }
0x7a: {  	s0 =	rddreg [dreg:$0x9];
	[sflag:s22] =	ssyncadd.s32 $0xFFFFC000  }
0x7b: {  	[hbm4b:s0+s2] =	stream.linear.scatter [tilespmem:s17], [sflag:$0x9], $0x4000, $0x38;
	[tilespmem:$0x18300] =	vst v63  }
0x7c: {  	_ =	swait.ge [sflag:s20], $0x4000  }
0x7d: {  	[sflag:s20] =	ssyncset.done $0x0  }
0x7e: {  	s0 =	rddreg [dreg:$0xa];
	[sflag:s20] =	ssyncadd.s32 $0xFFFFC000  }
0x7f: {  	[hbm4b:s0+s2] =	stream.linear.scatter [tilespmem:s14], [sflag:$0xA], $0x4000, $0x38;
	[tilespmem:$0x18300] =	vst v63  }
0x80: {  	_ =	swait.ge [sflag:s18], $0x4000  }
0x81: {  	[sflag:s18] =	ssyncset.done $0x0  }
0x82: {  	s0 =	rddreg [dreg:$0xb];
	[sflag:s18] =	ssyncadd.s32 $0xFFFFC000  }
0x83: {  	[hbm4b:s0+s2] =	stream.linear.scatter [tilespmem:s11], [sflag:$0xB], $0x4000, $0x38;
	[tilespmem:$0x18300] =	vst v63  }
0x84: {  	_ =	swait.ge [sflag:s15], $0x4000  }
0x85: {  	[sflag:s15] =	ssyncset.done $0x0  }
0x86: {  	[sflag:s15] =	ssyncadd.s32 $0xFFFFC000  }
0x87: {  	[hbm4b:s5+s2] =	stream.linear.scatter [tilespmem:s9], [sflag:$0xC], $0x4000, $0x38;
	[tilespmem:$0x18300] =	vst v63  }
0x88: {  	_ =	swait.ge [sflag:s16], $0x4000  }
0x89: {  	[sflag:s16] =	ssyncset.done $0x0  }
0x8a: {  	[sflag:s16] =	ssyncadd.s32 $0xFFFFC000  }
0x8b: {  	_ =	swait.ge [sflag:s13], $0x4000  }
0x8c: {  	[sflag:s13] =	ssyncset.done $0x0  }
0x8d: {  	[sflag:s13] =	ssyncadd.s32 $0xFFFFC000  }
0x8e: {  	_ =	swait.ge [sflag:s12], $0x4000  }
0x8f: {  	[sflag:s12] =	ssyncset.done $0x0  }
0x90: {  	[sflag:s12] =	ssyncadd.s32 $0xFFFFC000  }
0x91: {  	_ =	swait.ge [sflag:s10], $0x4000  }
0x92: {  	[sflag:s10] =	ssyncset.done $0x0  }
0x93: {  	p1 =	sne.s32 s1, $0x1;
	[sflag:s10] =	ssyncadd.s32 $0xFFFFC000  }
.Ltmp2:
0x94: {  	_ =	swait.ge [sflag:s8], $0x4000;
	(pc) =	sbr.rel @p1 .LBB2_2-.Ltmp2, $4  }
0x95: {  	[sflag:s8] =	ssyncset.done $0x0  }
0x96: {  	[sflag:s8] =	ssyncadd.s32 $0xFFFFC000  }
0x97: {  	_ =	swait.ge [sflag:s6], $0x4000  }
0x98: {  	s1 =	sadd.s32 $0xFFFFFFFF, s1;
	s0 =	rddreg [dreg:$0x5];
	[sflag:s6] =	ssyncset.done $0x0  }
.LBB2_3:
0x99: {  	[sflag:s6] =	ssyncadd.s32 @p0 $0xFFFFC000  }
0x9a: {  	[tilespmem:s2], [sflag:$0xD] =	stream.linear.gather [hbm4b:s0+s2], $0x100, $0x38;
	[tilespmem:$0x18300] =	vst v63  }
0x9b: {  	_ =	swait.ge [sflag:s28], $0x100  }
0x9c: {  	[sflag:s28] =	ssyncset.done $0x0  }
0x9d: {  	s1 =	rddreg [dreg:$0x6];
	[sflag:s28] =	ssyncadd.s32 $0xFFFFFF00  }
0x9e: {  	[tilespmem:s25], [sflag:$0xD] =	stream.linear.gather [hbm4b:s1+s2], $0x100, $0x38;
	[tilespmem:$0x18300] =	vst v63  }
0x9f: {  	_ =	swait.ge [sflag:s28], $0x100  }
0xa0: {  	[sflag:s28] =	ssyncset.done $0x0  }
0xa1: {  	s1 =	rddreg [dreg:$0x7];
	[sflag:s28] =	ssyncadd.s32 $0xFFFFFF00  }
0xa2: {  	[tilespmem:s23], [sflag:$0xD] =	stream.linear.gather [hbm4b:s1+s2], $0x100, $0x38;
	[tilespmem:$0x18300] =	vst v63  }
0xa3: {  	_ =	swait.ge [sflag:s28], $0x100  }
0xa4: {  	[sflag:s28] =	ssyncset.done $0x0  }
0xa5: {  	[sflag:s28] =	ssyncadd.s32 $0xFFFFFF00  }
0xa6: {  	[tilespmem:s21], [sflag:$0x1] =	stream.indirect.gather [hbm4b:s3+s24], $0x80, s2, s24, $0xb8;
	[tilespmem:$0x18300] =	vst v63  }
0xa7: {  	_ = 	snop  }
0xa8: {  	[tilespmem:s19], [sflag:$0x2] =	stream.indirect.gather [hbm4b:s3+s24], $0x80, s24, s24, $0xb8;
	[tilespmem:$0x18300] =	vst v63  }
0xa9: {  	_ = 	snop  }
0xaa: {  	[tilespmem:s17], [sflag:$0x3] =	stream.indirect.gather [hbm4b:s4+s24], $0x80, s25, s24, $0xb8;
	[tilespmem:$0x18300] =	vst v63  }
0xab: {  	_ = 	snop  }
0xac: {  	[tilespmem:s14], [sflag:$0x4] =	stream.indirect.gather [hbm4b:s4+s24], $0x80, s29, s24, $0xb8;
	[tilespmem:$0x18300] =	vst v63  }
0xad: {  	_ = 	snop  }
0xae: {  	[tilespmem:s11], [sflag:$0x5] =	stream.indirect.gather [hbm4b:s3+s24], $0x80, s23, s24, $0xb8;
	[tilespmem:$0x18300] =	vst v63  }
0xaf: {  	_ = 	snop  }
0xb0: {  	[tilespmem:s9], [sflag:$0x6] =	stream.indirect.gather [hbm4b:s3+s24], $0x80, s31, s24, $0xb8;
	[tilespmem:$0x18300] =	vst v63  }
0xb1: {  	_ =	swait.ge [sflag:s30], $0x4000  }
0xb2: {  	[sflag:s30] =	ssyncset.done $0x0  }
0xb3: {  	[sflag:s30] =	ssyncadd.s32 $0xFFFFC000  }
0xb4: {  	[hbm4b:s7+s2] =	stream.linear.scatter [tilespmem:s21], [sflag:$0x7], $0x4000, $0x38;
	[tilespmem:$0x18300] =	vst v63  }
0xb5: {  	_ =	swait.ge [sflag:s26], $0x4000  }
0xb6: {  	[sflag:s26] =	ssyncset.done $0x0  }
0xb7: {  	s25 =	rddreg [dreg:$0x8];
	[sflag:s26] =	ssyncadd.s32 $0xFFFFC000  }
0xb8: {  	[hbm4b:s25+s2] =	stream.linear.scatter [tilespmem:s19], [sflag:$0x8], $0x4000, $0x38;
	[tilespmem:$0x18300] =	vst v63  }
0xb9: {  	_ =	swait.ge [sflag:s22], $0x4000  }
0xba: {  	[sflag:s22] =	ssyncset.done $0x0  }
0xbb: {  	s28 =	rddreg [dreg:$0x9];
	[sflag:s22] =	ssyncadd.s32 $0xFFFFC000  }
0xbc: {  	[hbm4b:s28+s2] =	stream.linear.scatter [tilespmem:s17], [sflag:$0x9], $0x4000, $0x38;
	[tilespmem:$0x18300] =	vst v63  }
0xbd: {  	_ =	swait.ge [sflag:s20], $0x4000  }
0xbe: {  	[sflag:s20] =	ssyncset.done $0x0  }
0xbf: {  	s29 =	rddreg [dreg:$0xa];
	[sflag:s20] =	ssyncadd.s32 $0xFFFFC000  }
0xc0: {  	[hbm4b:s29+s2] =	stream.linear.scatter [tilespmem:s14], [sflag:$0xA], $0x4000, $0x38;
	[tilespmem:$0x18300] =	vst v63  }
0xc1: {  	_ =	swait.ge [sflag:s18], $0x4000  }
0xc2: {  	[sflag:s18] =	ssyncset.done $0x0  }
0xc3: {  	s30 =	rddreg [dreg:$0xb];
	[sflag:s18] =	ssyncadd.s32 $0xFFFFC000  }
0xc4: {  	[hbm4b:s30+s2] =	stream.linear.scatter [tilespmem:s11], [sflag:$0xB], $0x4000, $0x38;
	[tilespmem:$0x18300] =	vst v63  }
0xc5: {  	_ =	swait.ge [sflag:s15], $0x4000  }
0xc6: {  	[sflag:s15] =	ssyncset.done $0x0  }
0xc7: {  	[sflag:s15] =	ssyncadd.s32 $0xFFFFC000  }
0xc8: {  	[hbm4b:s5+s2] =	stream.linear.scatter [tilespmem:s9], [sflag:$0xC], $0x4000, $0x38;
	[tilespmem:$0x18300] =	vst v63  }
0xc9: {  	_ =	swait.ge [sflag:s16], $0x4000  }
0xca: {  	[sflag:s16] =	ssyncset.done $0x0  }
0xcb: {  	[sflag:s16] =	ssyncadd.s32 $0xFFFFC000  }
0xcc: {  	_ =	swait.ge [sflag:s13], $0x4000  }
0xcd: {  	[sflag:s13] =	ssyncset.done $0x0  }
0xce: {  	[sflag:s13] =	ssyncadd.s32 $0xFFFFC000  }
0xcf: {  	_ =	swait.ge [sflag:s12], $0x4000  }
0xd0: {  	[sflag:s12] =	ssyncset.done $0x0  }
0xd1: {  	[sflag:s12] =	ssyncadd.s32 $0xFFFFC000  }
0xd2: {  	_ =	swait.ge [sflag:s10], $0x4000  }
0xd3: {  	[sflag:s10] =	ssyncset.done $0x0  }
0xd4: {  	[sflag:s10] =	ssyncadd.s32 $0xFFFFC000  }
0xd5: {  	_ =	swait.ge [sflag:s8], $0x4000  }
0xd6: {  	[sflag:s8] =	ssyncset.done $0x0  }
0xd7: {  	[sflag:s8] =	ssyncadd.s32 $0xFFFFC000  }
0xd8: {  	_ =	swait.ge [sflag:s6], $0x4000  }
0xd9: {  	[sflag:s6] =	ssyncset.done $0x0  }
0xda: {  	[sflag:s6] =	ssyncadd.s32 $0xFFFFC000  }
0xdb: {  	_ =	sfence.sel $0x180000  }
0xdc: {  	[bflag:$0x0] =	sbarrier.arrive $0xFFFF  }
0xdd: {  	_ =	strace $0x90000047  }
0xde: {  	s31 =	stileid.u32;
	[bflag:$0x2] =	sbarrier.arrive $0xFFFF  }
0xdf: {  	p0 =	sne.s32 s31, $0x0;
	s0 =	rddreg [dreg:$0x4]  }
0xe0: {  	s0 =	sadd.s32 @!p0 $0x100000, s0  }
0xe1: {  	[sflag:s0] =	ssyncadd.tile.s32 @!p0 $0x1;
	_ =	shalt  }
.Lfunc_end2:
_tile_overlayer_lowered:
.L_overlay_start_2:
0xe2: {  	(tag) =	ssettag $0x2  }
0xe3: {  	s0 =	rddreg [dreg:$0x0];
	s2 =	stileid.u32  }
0xe4: {  	s1 =	rddreg [dreg:$0x1];
	p0 =	sne.s32 s2, $0x0  }
0xe5: {  	s3 =	rddreg [dreg:$0x2];
	[bflag:$0x3] =	sbarrier.arrive $0xFFFF;
	s2 =	simm.s32 @!p0 $0x1C0D  }
0xe6: {  	[timem:s3], [sflag:s2] =	dma.local @!p0 [hbm:s0], s1  }
0xe7: {  	s0 =	simm.s32 @!p0 $0xD  }
0xe8: {  	_ =	swait.ge @!p0 [sflag:s0], s1  }
0xe9: {  	s1 =	ssub.s32 @!p0 $0x0, s1;
	[sflag:s0] =	ssyncset.done @!p0 $0x0  }
0xea: {  	[sflag:s0] =	ssyncadd.s32 @!p0 s1  }
0xeb: {  	[bflag:$0x3] =	sbarrier.arrive $0xFFFF  }
0xec: {  	_ =	shalt  }

// kernel: kernel.9.cloned.1.call-start
scs
__scs_entry_jumppad:
0x0: {  	(pc) =	sbr.rel $0x88, $3  }
0x1: {  	(tag) =	ssettag $0x0;
	lr =	simm.s32 $0x1  }
0x2: {  	[smem:$0x3F9C] =	sst lr;
	_ =	strace $0xD0000000  }
0x3: {  	_ = 	snop  }
0x4: {  	_ = 	snop  }
0x5: {  	_ = 	snop  }
0x6: {  	_ = 	snop  }
0x7: {  	_ = 	snop  }
__scs_overlays_trampoline_lowered:
0x8: {  	[smem:$0x3FAB] =	sst s0  }
0x9: {  	[smem:$0x3FAC] =	sst s1  }
0xa: {  	[smem:$0x3FAD] =	sst s2  }
0xb: {  	[smem:$0x3FAE] =	sst s3  }
0xc: {  	[smem:$0x3FAF] =	sst s4  }
0xd: {  	[smem:$0x3FB0] =	sst s5  }
0xe: {  	[smem:$0x3FB1] =	sst s6  }
0xf: {  	[smem:$0x3FB2] =	sst s7  }
0x10: {  	[smem:$0x3FB3] =	sst s8  }
0x11: {  	[smem:$0x3FB4] =	sst s9;
	s0 =	simm.s32 @!p0 $0x0  }
0x12: {  	s1 =	sld [smem:$0x3F9A];
	s0 =	simm.s32 @p0 $0x1  }
0x13: {  	[smem:$0x3FB5] =	sst s0;
	s0 =	simm.s32 @!p1 $0x0  }
0x14: {  	s2 =	sld [smem:$0x3F99];
	s0 =	simm.s32 @p1 $0x1  }
0x15: {  	[smem:$0x3FB6] =	sst s0;
	s0 =	simm.s32 @!p2 $0x0  }
0x16: {  	s3 =	sld [smem:$0x3FDB];
	s0 =	simm.s32 @p2 $0x1  }
0x17: {  	s4 =	simm.s32 $0x1BF5;
	[smem:$0x3FB8] =	sst s0  }
0x18: {  	s0 =	sld [smem:$0x3F9B];
	_ =	swait.ge [sflag:s4], $0x0  }
0x19: {  	s7 =	sld [smem:$0x3F9C]  }
0x1a: {  	s8 =	sadd.s32 $0xFFFFE003, lr  }
0x1b: {  	s9 =	sadd.s32 $0xFFFFFEF7, lr;
	s5 =	simm.s32 $0xFFFFFFFF;
	p2 =	slt.u32 s8, $0xFFFFF086  }
0x1c: {  	p1 =	slt.u32 s9, $0xF7A;
	s5 =	simm.s32 @!p2 $0x0  }
0x1d: {  	s5 =	simm.s32 @p1 $0x1;
	p0 =	seq.s32 s7, s2  }
0x1e: {  	s7 =	smul.u32 @!p0 $0xF7A, s2;
	p2 =	seq.s32 @!p0 s5, $0x0  }
0x1f: {  	s9 =	smul.u32 $0xF7A, s1;
	s8 =	simm.s32 @!p0 $0x1BF5;
	p2 =	por !p2, p0  }
0x20: {  	[sflag:s8] =	ssyncset.s32 @!p0 $0xFFFFF086;
	s6 =	sadd.s32 @!p0 s3, s7;
	s7 =	simm.s32 @!p0 $0x108  }
0x21: {  	s3 =	sadd.s32 s3, s9;
	s6 =	sadd.s32 @!p0 $0x88, s6;
	s7 =	simm.s32 @p2 $0x1082  }
0x22: {  	[simem:s7], [sflag:s8] =	dma.local @!p0 [hbm:s6], $0xF7A  }
0x23: {  	s9 =	sor.u32 $0xD0000000, s2;
	s6 =	simm.s32 $0x108;
	_ =	swait.ge @!p0 [sflag:s8], $0x0  }
0x24: {  	s3 =	sadd.s32 $0x88, s3;
	s6 =	simm.s32 @!p1 $0x1082;
	[sflag:s4] =	ssyncset.s32 $0xFFFFF086  }
0x25: {  	[simem:s6], [sflag:s4] =	dma.local [hbm:s3], $0xF7A  }
0x26: {  	[smem:$0x3F9C] =	sst s1;
	(tag) =	ssettag s2;
	_ =	strace s9  }
0x27: {  	s1 =	sld [smem:$0x3FAC]  }
0x28: {  	s2 =	sld [smem:$0x3FAD]  }
0x29: {  	s4 =	sld [smem:$0x3FAF]  }
0x2a: {  	p0 =	seq.s32 s5, $0x0;
	s5 =	sld [smem:$0x3FB0]  }
0x2b: {  	s6 =	sld [smem:$0x3FB1]  }
0x2c: {  	s7 =	sld [smem:$0x3FB2]  }
0x2d: {  	s3 =	simm.s32 $0x108;
	s8 =	sld [smem:$0x3FB3]  }
0x2e: {  	s3 =	simm.s32 @!p0 $0x1082;
	s9 =	sld [smem:$0x3FB4]  }
0x2f: {  	lr =	sadd.s32 s0, s3;
	s0 =	sld [smem:$0x3FAB]  }
0x30: {  	s3 =	sld [smem:$0x3FAE]  }
0x31: {  	[smem:$0x3FB7] =	sst s10  }
0x32: {  	s10 =	sld [smem:$0x3FB5];
	_ =	sdelay $0x3  }
0x33: {  	p0 =	seq.s32 s10, $0x1;
	s10 =	sld [smem:$0x3FB7];
	_ =	sdelay $0x3  }
0x34: {  	[smem:$0x3FB7] =	sst s10  }
0x35: {  	s10 =	sld [smem:$0x3FB6];
	_ =	sdelay $0x3  }
0x36: {  	p1 =	seq.s32 s10, $0x1;
	s10 =	sld [smem:$0x3FB7];
	_ =	sdelay $0x3  }
0x37: {  	[smem:$0x3FB7] =	sst s10  }
0x38: {  	s10 =	sld [smem:$0x3FB8]  }
0x39: {  	_ = 	snop;
	(pc) =	sbr.ind lr, $3  }
0x3a: {  	_ = 	snop  }
0x3b: {  	_ = 	snop  }
0x3c: {  	p2 =	seq.s32 s10, $0x1;
	s10 =	sld [smem:$0x3FB7]  }
0x3d: {  	_ =	shalt  }
0x3e: {  	_ =	shalt  }
0x3f: {  	_ =	shalt  }
0x40: {  	_ =	shalt  }
0x41: {  	_ =	shalt  }
0x42: {  	_ =	shalt  }
0x43: {  	_ =	shalt  }
0x44: {  	_ =	shalt  }
0x45: {  	_ =	shalt  }
0x46: {  	_ =	shalt  }
0x47: {  	_ =	shalt  }
0x48: {  	_ =	shalt  }
0x49: {  	_ =	shalt  }
0x4a: {  	_ =	shalt  }
0x4b: {  	_ =	shalt  }
0x4c: {  	_ =	shalt  }
0x4d: {  	_ =	shalt  }
0x4e: {  	_ =	shalt  }
0x4f: {  	_ =	shalt  }
0x50: {  	_ =	shalt  }
0x51: {  	_ =	shalt  }
0x52: {  	_ =	shalt  }
0x53: {  	_ =	shalt  }
0x54: {  	_ =	shalt  }
0x55: {  	_ =	shalt  }
0x56: {  	_ =	shalt  }
0x57: {  	_ =	shalt  }
0x58: {  	_ =	shalt  }
0x59: {  	_ =	shalt  }
0x5a: {  	_ =	shalt  }
0x5b: {  	_ =	shalt  }
0x5c: {  	_ =	shalt  }
0x5d: {  	_ =	shalt  }
0x5e: {  	_ =	shalt  }
0x5f: {  	_ =	shalt  }
0x60: {  	_ =	shalt  }
0x61: {  	_ =	shalt  }
0x62: {  	_ =	shalt  }
0x63: {  	_ =	shalt  }
0x64: {  	_ =	shalt  }
0x65: {  	_ =	shalt  }
0x66: {  	_ =	shalt  }
0x67: {  	_ =	shalt  }
0x68: {  	_ =	shalt  }
0x69: {  	_ =	shalt  }
0x6a: {  	_ =	shalt  }
0x6b: {  	_ =	shalt  }
0x6c: {  	_ =	shalt  }
0x6d: {  	_ =	shalt  }
0x6e: {  	_ =	shalt  }
0x6f: {  	_ =	shalt  }
0x70: {  	_ =	shalt  }
0x71: {  	_ =	shalt  }
0x72: {  	_ =	shalt  }
0x73: {  	_ =	shalt  }
0x74: {  	_ =	shalt  }
0x75: {  	_ =	shalt  }
0x76: {  	_ =	shalt  }
0x77: {  	_ =	shalt  }
0x78: {  	_ =	shalt  }
0x79: {  	_ =	shalt  }
0x7a: {  	_ =	shalt  }
0x7b: {  	_ =	shalt  }
0x7c: {  	_ =	shalt  }
0x7d: {  	_ =	shalt  }
0x7e: {  	_ =	shalt  }
0x7f: {  	_ =	shalt  }
0x80: {  	_ =	shalt  }
0x81: {  	_ =	shalt  }
0x82: {  	_ =	shalt  }
0x83: {  	_ =	shalt  }
0x84: {  	_ =	shalt  }
0x85: {  	_ =	shalt  }
0x86: {  	_ =	shalt  }
0x87: {  	_ =	shalt  }
.Lfunc_end0:
.L_simem_size_0:
called_computation.1_lowered:
.L_overlay_start_0:
0x88: {  	s2 =	sld [smem:$0x3FD9]  }
0x89: {  	s3 =	sld [smem:$0x3FFE];
	_ =	sdelay $0x1  }
0x8a: {  	s1 =	srdreg.scid  }
0x8b: {  	s0 =	sand.u32 $0x1, s1  }
0x8c: {  	s17 =	sshll.u32 s0, $0xA;
	s2 =	sadd.s32 s3, s2  }
0x8d: {  	s2 =	sadd.s32 s2, s17  }
0x8e: {  	[smem:$0x3FC3] =	sst s2  }
0x8f: {  	_ = 	snop  }
0x90: {  	s18 =	sld [smem:$0x3FC8]  }
0x91: {  	s4 =	sld [smem:$0x3FC7];
	(tm) =	ssettm $0x1  }
0x92: {  	s19 =	sld [smem:$0x3FFB];
	_ =	sdelay $0x3  }
0x93: {  	_ =	strace s19  }
0x94: {  	s2 =	sld [smem:$0x3FFC];
	_ =	sdelay $0x3  }
0x95: {  	_ =	strace s2  }
0x96: {  	s2 =	sld [smem:$0x3FFD];
	_ =	sdelay $0x3  }
0x97: {  	_ =	strace s2  }
0x98: {  	_ =	strace $0x8FFFFFFF  }
0x99: {  	s20 =	sld [smem:$0x3FDB];
	_ =	sdelay $0x1  }
0x9a: {  	s5 =	simm.s32 $_scs_section_size  }
0x9b: {  	s6 =	simm.s32 $_size__tile_overlayer_lowered;
	s7 =	simm.s32 $_tile_overlayer_lowered  }
0x9c: {  	s8 =	simm.s32 $0x1BFF;
	s21 =	sshll.u32 s7, $0x1;
	s5 =	sadd.s32 s5, s20  }
0x9d: {  	s22 =	simm.s32 $0x0;
	s6 =	sshll.u32 s6, $0x1;
	s7 =	sadd.s32 s21, s5  }
0x9e: {  	[timem:s22], [sflag:s8] =	dma.local [hbm:s7], s6  }
0x9f: {  	_ =	swait.ge [sflag:s8], s6  }
0xa0: {  	s6 =	ssub.s32 $0x0, s6;
	[sflag:s8] =	ssyncset.done $0x0  }
0xa1: {  	[sflag:s8] =	ssyncadd.s32 s6;
	_ =	sdelay $0x1  }
0xa2: {  	s23 =	simm.s32 $0x1B8B  }
0xa3: {  	_ =	swait.ge [sflag:s23], $0x1  }
0xa4: {  	[sflag:s23] =	ssyncset.done $0x0  }
0xa5: {  	[sflag:s23] =	ssyncadd.s32 $0xFFFFFFFF  }
0xa6: {  	s6 =	sld [smem:$0x0]  }
0xa7: {  	s7 =	sand.u32 $0xFFFFFFFE, s1  }
0xa8: {  	p0 =	sne.s32 s1, s7  }
0xa9: {  	s7 =	sshll.u32 @p0 s7, $0xE  }
0xaa: {  	s7 =	sadd.s32 @p0 $0x11B8D, s7;
	s8 =	sshll.u32 @p0 s6, $0x11  }
0xab: {  	s7 =	sor.u32 @p0 s8, s7  }
0xac: {  	[sflag:s7] =	ssyncadd.remote.s32 @p0 $0x1;
	_ =	sdelay $0x1  }
0xad: {  	s7 =	simm.s32 @p0 $0x1B8D  }
0xae: {  	_ =	swait.eq @p0 [sflag:s7], $0x1  }
0xaf: {  	[sflag:s7] =	ssyncadd.s32 @p0 $0xFFFFFFFF  }
0xb0: {  	s8 =	sshll.u32 @!p0 s1, $0xE  }
0xb1: {  	s8 =	sor.u32 @!p0 $0x4000, s8;
	s7 =	simm.s32 @!p0 $0x1B8D  }
0xb2: {  	s6 =	sshll.u32 @!p0 s6, $0x11;
	s8 =	sadd.s32 @!p0 $0x11B8D, s8;
	_ =	swait.eq @!p0 [sflag:s7], $0x1  }
0xb3: {  	s6 =	sor.u32 @!p0 s6, s8;
	[sflag:s7] =	ssyncadd.s32 @!p0 $0xFFFFFFFF  }
0xb4: {  	s25 =	simm.s32 $0x1B8E;
	s24 =	sld [smem:$0x3FFE];
	[sflag:s6] =	ssyncadd.remote.s32 @!p0 $0x1  }
0xb5: {  	s26 =	simm.s32 $execute0_lowered;
	[smem:$0x3FD2] =	sst s25  }
0xb6: {  	s7 =	sshll.u32 s26, $0x1;
	_ =	strace $0x80000049;
	[dreg:$0x1] =	wrdreg $0xFFFFFFFF  }
0xb7: {  	s28 =	simm.s32 $_size_execute0_lowered;
	s5 =	sadd.s32 s5, s7;
	[dreg:$0x0] =	wrdreg $0x0  }
0xb8: {  	s7 =	sshll.u32 s28, $0x1;
	[dreg:$0x2] =	wrdreg s5  }
0xb9: {  	[dreg:$0x3] =	wrdreg s7  }
0xba: {  	[dreg:$0x4] =	wrdreg $0xC0  }
0xbb: {  	_ =	task [dreg:s22], $0x5FFFF  }
0xbc: {  	[dreg:$0x1] =	wrdreg $0xFFFFFFFF  }
0xbd: {  	[dreg:$0x0] =	wrdreg $0x60  }
0xbe: {  	[dreg:$0x2] =	wrdreg s24  }
0xbf: {  	[dreg:$0x3] =	wrdreg s18  }
0xc0: {  	[dreg:$0x4] =	wrdreg s4  }
0xc1: {  	[dreg:$0x5] =	wrdreg $0xA  }
0xc2: {  	_ =	task.clear_ibuf [dreg:s22], $0x6FFFF;
	_ =	strace $0x90000049  }
0xc3: {  	s29 =	simm.s32 $0xA;
	_ =	strace $0x8000004B  }
0xc4: {  	_ =	swait.ge [sflag:s29], $0x1  }
0xc5: {  	[sflag:s29] =	ssyncadd.s32 $0xFFFFFFFF  }
0xc6: {  	_ =	strace $0x9000004B  }
0xc7: {  	_ =	sfence  }
0xc8: {  	s30 =	sld [smem:$0x0];
	_ =	sdelay $0x2  }
0xc9: {  	s31 =	sshll.u32 s1, $0xD;
	s1 =	sshrl.u32 s1, $0x2  }
0xca: {  	s4 =	sand.u32 $0x4000, s31;
	s1 =	sadd.s32 s1, s30  }
0xcb: {  	s0 =	sor.u32 s4, s0;
	s1 =	sshll.u32 s1, $0x11  }
0xcc: {  	s0 =	sor.u32 s1, s0  }
0xcd: {  	s0 =	sadd.s32 $0x8F2B, s0  }
0xce: {  	[sflag:s0] =	ssyncadd.remote.s32 $0x1  }
0xcf: {  	_ =	sfence.sel $0xFFFF  }
0xd0: {  	[dreg:$0x0] =	wrdreg $0xFFFFFFFF;
	(pc) =	sbr.abs _section_cstart, $3  }
0xd1: {  	[dreg:$0x1] =	wrdreg $0xFFFFFFFF  }
0xd2: {  	_ =	task.clear_ibuf [dreg:s22], $0x2FFFF;
	_ =	strace $0x9FFFFFFF  }
0xd3: {  	(tm) =	ssettm $0x7FFFFFFF  }
tec
execute0_lowered:
.L_overlay_start_1:
0x0: {  	(tag) =	ssettag $0x1  }
0x1: {  	s1 =	rddreg [dreg:$0x0]  }
0x2: {  	s0 =	srdreg.scid;
	s3 =	rddreg [dreg:$0x1]  }
0x3: {  	s2 =	stileid.u32;
	s5 =	rddreg [dreg:$0x2]  }
0x4: {  	s28 =	simm.s32 $0xD;
	s19 =	simm.s32 $0x4300;
	s17 =	simm.s32 $0x8300  }
0x5: {  	s30 =	simm.s32 $0x180;
	s13 =	simm.s32 $0xC300;
	s11 =	simm.s32 $0x10300  }
0x6: {  	s31 =	simm.s32 $0x280;
	s9 =	simm.s32 $0x14300;
	s29 =	simm.s32 $0x1  }
0x7: {  	s18 =	simm.s32 $0x5;
	s15 =	simm.s32 $0x6;
	p0 =	por $0x0, $0x0  }
0x8: {  	s16 =	simm.s32 $0x7;
	s14 =	simm.s32 $0x8;
	s12 =	simm.s32 $0x9  }
0x9: {  	s10 =	simm.s32 $0xA;
	s8 =	simm.s32 $0xB;
	s0 =	sand.u32 $0x1, s0  }
0xa: {  	s2 =	sshll.u32 s2, $0x9;
	s4 =	sshll.u32 s0, $0x8;
	s0 =	ssub.s32 $0x2, s0  }
0xb: {  	s4 =	sor.u32 s4, s2;
	s2 =	simm.s32 $0x0;
	s25 =	sshrl.u32 s0, $0x1  }
0xc: {  	s6 =	sshrl.u32 s4, $0x3;
	[smem:$0x7FF] =	sst s2;
	s4 =	sshll.u32 s4, $0x4  }
0xd: {  	s0 =	ssub.s32 s0, s25;
	s25 =	simm.s32 $0x100;
	s6 =	sadd.s32 s6, s1  }
0xe: {  	_ =	strace $0x8000004A;
	s1 =	sadd.s32 s4, s1;
	s7 =	sadd.s32 $0x1E00, s6  }
0xf: {  	s0 =	smax.u32 s0, $0x1;
	s20 =	sadd.s32 $0x2200, s6;
	[dreg:$0x4] =	wrdreg s7  }
0x10: {  	s21 =	sadd.s32 $0x2600, s6;
	s22 =	sadd.s32 $0x2A00, s1;
	[dreg:$0x5] =	wrdreg s20  }
0x11: {  	s23 =	sadd.s32 $0x3200, s1;
	s24 =	sadd.s32 $0x22A00, s1;
	[dreg:$0x6] =	wrdreg s21  }
0x12: {  	s26 =	sadd.s32 $0x23200, s1;
	p1 =	sne.s32 s0, $0x1;
	[dreg:$0x7] =	wrdreg s22  }
.Ltmp0:
0x13: {  	s6 =	sadd.s32 $0x42A00, s1;
	[dreg:$0x8] =	wrdreg s23;
	(pc) =	sbr.rel @!p1 .LBB2_3-.Ltmp0, $4  }
0x14: {  	s4 =	sadd.s32 $0x43200, s1;
	s1 =	sadd.s32 $0xFFFFFFFF, s0;
	[dreg:$0x9] =	wrdreg s24  }
0x15: {  	[dreg:$0xa] =	wrdreg s26;
	s23 =	simm.s32 $0x200;
	s24 =	simm.s32 $0x80  }
0x16: {  	s21 =	simm.s32 $0x300;
	s26 =	simm.s32 $0x2;
	s22 =	simm.s32 $0x3  }
0x17: {  	s20 =	simm.s32 $0x4;
	s7 =	simm.s32 $0xC;
	s0 =	rddreg [dreg:$0x4]  }
0x18: {  	[tilespmem:s2], [sflag:$0xD] =	stream.linear.gather [hbm4b:s0+s2], $0x100, $0x38;
	[tilespmem:$0x18300] =	vst v63  }
0x19: {  	_ =	swait.ge [sflag:s28], $0x100  }
0x1a: {  	[sflag:s28] =	ssyncset.done $0x0  }
0x1b: {  	s0 =	rddreg [dreg:$0x5];
	[sflag:s28] =	ssyncadd.s32 $0xFFFFFF00  }
0x1c: {  	[tilespmem:s25], [sflag:$0xD] =	stream.linear.gather [hbm4b:s0+s2], $0x100, $0x38;
	[tilespmem:$0x18300] =	vst v63  }
0x1d: {  	_ =	swait.ge [sflag:s28], $0x100  }
0x1e: {  	[sflag:s28] =	ssyncset.done $0x0  }
0x1f: {  	s0 =	rddreg [dreg:$0x6];
	[sflag:s28] =	ssyncadd.s32 $0xFFFFFF00  }
0x20: {  	[tilespmem:s23], [sflag:$0xD] =	stream.linear.gather [hbm4b:s0+s2], $0x100, $0x38;
	[tilespmem:$0x18300] =	vst v63  }
0x21: {  	_ =	swait.ge [sflag:s28], $0x100  }
0x22: {  	[sflag:s28] =	ssyncset.done $0x0  }
0x23: {  	[sflag:s28] =	ssyncadd.s32 $0xFFFFFF00  }
0x24: {  	[tilespmem:s21], [sflag:$0x1] =	stream.indirect.gather [hbm4b:s3+s24], $0x80, s2, s24, $0xb8;
	[tilespmem:$0x18300] =	vst v63  }
0x25: {  	_ = 	snop  }
0x26: {  	[tilespmem:s19], [sflag:$0x2] =	stream.indirect.gather [hbm4b:s3+s24], $0x80, s24, s24, $0xb8;
	[tilespmem:$0x18300] =	vst v63  }
0x27: {  	_ = 	snop  }
0x28: {  	[tilespmem:s17], [sflag:$0x3] =	stream.indirect.gather [hbm4b:s5+s24], $0x80, s25, s24, $0xb8;
	[tilespmem:$0x18300] =	vst v63  }
0x29: {  	_ = 	snop  }
0x2a: {  	[tilespmem:s13], [sflag:$0x4] =	stream.indirect.gather [hbm4b:s5+s24], $0x80, s30, s24, $0xb8;
	[tilespmem:$0x18300] =	vst v63  }
0x2b: {  	_ = 	snop  }
0x2c: {  	[tilespmem:s11], [sflag:$0x5] =	stream.indirect.gather [hbm4b:s3+s24], $0x80, s23, s24, $0xb8;
	[tilespmem:$0x18300] =	vst v63  }
0x2d: {  	_ = 	snop  }
0x2e: {  	[tilespmem:s9], [sflag:$0x6] =	stream.indirect.gather [hbm4b:s3+s24], $0x80, s31, s24, $0xb8;
	[tilespmem:$0x18300] =	vst v63  }
0x2f: {  	_ =	swait.ge [sflag:s29], $0x4000  }
0x30: {  	[sflag:s29] =	ssyncset.done $0x0  }
0x31: {  	s0 =	rddreg [dreg:$0x7];
	[sflag:s29] =	ssyncadd.s32 $0xFFFFC000  }
0x32: {  	[hbm4b:s0+s2] =	stream.linear.scatter [tilespmem:s21], [sflag:$0x7], $0x4000, $0x38;
	[tilespmem:$0x18300] =	vst v63  }
0x33: {  	_ =	swait.ge [sflag:s26], $0x4000  }
0x34: {  	[sflag:s26] =	ssyncset.done $0x0  }
0x35: {  	s0 =	rddreg [dreg:$0x8];
	[sflag:s26] =	ssyncadd.s32 $0xFFFFC000  }
0x36: {  	[hbm4b:s0+s2] =	stream.linear.scatter [tilespmem:s19], [sflag:$0x8], $0x4000, $0x38;
	[tilespmem:$0x18300] =	vst v63  }
0x37: {  	_ =	swait.ge [sflag:s22], $0x4000  }
0x38: {  	[sflag:s22] =	ssyncset.done $0x0  }
0x39: {  	s0 =	rddreg [dreg:$0x9];
	[sflag:s22] =	ssyncadd.s32 $0xFFFFC000  }
0x3a: {  	[hbm4b:s0+s2] =	stream.linear.scatter [tilespmem:s17], [sflag:$0x9], $0x4000, $0x38;
	[tilespmem:$0x18300] =	vst v63  }
0x3b: {  	_ =	swait.ge [sflag:s20], $0x4000  }
0x3c: {  	[sflag:s20] =	ssyncset.done $0x0  }
0x3d: {  	s0 =	rddreg [dreg:$0xa];
	[sflag:s20] =	ssyncadd.s32 $0xFFFFC000  }
0x3e: {  	[hbm4b:s0+s2] =	stream.linear.scatter [tilespmem:s13], [sflag:$0xA], $0x4000, $0x38;
	[tilespmem:$0x18300] =	vst v63  }
0x3f: {  	_ =	swait.ge [sflag:s18], $0x4000  }
0x40: {  	[sflag:s18] =	ssyncset.done $0x0  }
0x41: {  	[sflag:s18] =	ssyncadd.s32 $0xFFFFC000  }
0x42: {  	[hbm4b:s6+s2] =	stream.linear.scatter [tilespmem:s11], [sflag:$0xB], $0x4000, $0x38;
	[tilespmem:$0x18300] =	vst v63  }
0x43: {  	_ =	swait.ge [sflag:s15], $0x4000  }
0x44: {  	[sflag:s15] =	ssyncset.done $0x0  }
0x45: {  	[sflag:s15] =	ssyncadd.s32 $0xFFFFC000  }
0x46: {  	[hbm4b:s4+s2] =	stream.linear.scatter [tilespmem:s9], [sflag:$0xC], $0x4000, $0x38;
	[tilespmem:$0x18300] =	vst v63  }
0x47: {  	_ =	swait.ge [sflag:s16], $0x4000  }
0x48: {  	[sflag:s16] =	ssyncset.done $0x0  }
0x49: {  	[sflag:s16] =	ssyncadd.s32 $0xFFFFC000  }
0x4a: {  	_ =	swait.ge [sflag:s14], $0x4000  }
0x4b: {  	[sflag:s14] =	ssyncset.done $0x0  }
0x4c: {  	[sflag:s14] =	ssyncadd.s32 $0xFFFFC000  }
0x4d: {  	_ =	swait.ge [sflag:s12], $0x4000  }
0x4e: {  	[sflag:s12] =	ssyncset.done $0x0  }
0x4f: {  	[sflag:s12] =	ssyncadd.s32 $0xFFFFC000  }
0x50: {  	_ =	swait.ge [sflag:s10], $0x4000  }
0x51: {  	[sflag:s10] =	ssyncset.done $0x0  }
0x52: {  	p1 =	sne.s32 s1, $0x1;
	[sflag:s10] =	ssyncadd.s32 $0xFFFFC000  }
.Ltmp1:
0x53: {  	_ =	swait.ge [sflag:s8], $0x4000;
	(pc) =	sbr.rel @!p1 .LBB2_3-.Ltmp1, $4  }
0x54: {  	[sflag:s8] =	ssyncset.done $0x0  }
0x55: {  	[sflag:s8] =	ssyncadd.s32 $0xFFFFC000  }
0x56: {  	s1 =	sadd.s32 $0xFFFFFFFF, s1;
	_ =	swait.ge [sflag:s7], $0x4000  }
0x57: {  	p0 =	por $0x1, $0x1;
	s0 =	rddreg [dreg:$0x4];
	[sflag:s7] =	ssyncset.done $0x0  }
.LBB2_2:
0x58: {  	[sflag:s7] =	ssyncadd.s32 $0xFFFFC000  }
0x59: {  	[tilespmem:s2], [sflag:$0xD] =	stream.linear.gather [hbm4b:s0+s2], $0x100, $0x38;
	[tilespmem:$0x18300] =	vst v63  }
0x5a: {  	_ =	swait.ge [sflag:s28], $0x100  }
0x5b: {  	[sflag:s28] =	ssyncset.done $0x0  }
0x5c: {  	s0 =	rddreg [dreg:$0x5];
	[sflag:s28] =	ssyncadd.s32 $0xFFFFFF00  }
0x5d: {  	[tilespmem:s25], [sflag:$0xD] =	stream.linear.gather [hbm4b:s0+s2], $0x100, $0x38;
	[tilespmem:$0x18300] =	vst v63  }
0x5e: {  	_ =	swait.ge [sflag:s28], $0x100  }
0x5f: {  	[sflag:s28] =	ssyncset.done $0x0  }
0x60: {  	s0 =	rddreg [dreg:$0x6];
	[sflag:s28] =	ssyncadd.s32 $0xFFFFFF00  }
0x61: {  	[tilespmem:s23], [sflag:$0xD] =	stream.linear.gather [hbm4b:s0+s2], $0x100, $0x38;
	[tilespmem:$0x18300] =	vst v63  }
0x62: {  	_ =	swait.ge [sflag:s28], $0x100  }
0x63: {  	[sflag:s28] =	ssyncset.done $0x0  }
0x64: {  	[sflag:s28] =	ssyncadd.s32 $0xFFFFFF00  }
0x65: {  	[tilespmem:s21], [sflag:$0x1] =	stream.indirect.gather [hbm4b:s3+s24], $0x80, s2, s24, $0xb8;
	[tilespmem:$0x18300] =	vst v63  }
0x66: {  	_ = 	snop  }
0x67: {  	[tilespmem:s19], [sflag:$0x2] =	stream.indirect.gather [hbm4b:s3+s24], $0x80, s24, s24, $0xb8;
	[tilespmem:$0x18300] =	vst v63  }
0x68: {  	_ = 	snop  }
0x69: {  	[tilespmem:s17], [sflag:$0x3] =	stream.indirect.gather [hbm4b:s5+s24], $0x80, s25, s24, $0xb8;
	[tilespmem:$0x18300] =	vst v63  }
0x6a: {  	_ = 	snop  }
0x6b: {  	[tilespmem:s13], [sflag:$0x4] =	stream.indirect.gather [hbm4b:s5+s24], $0x80, s30, s24, $0xb8;
	[tilespmem:$0x18300] =	vst v63  }
0x6c: {  	_ = 	snop  }
0x6d: {  	[tilespmem:s11], [sflag:$0x5] =	stream.indirect.gather [hbm4b:s3+s24], $0x80, s23, s24, $0xb8;
	[tilespmem:$0x18300] =	vst v63  }
0x6e: {  	_ = 	snop  }
0x6f: {  	[tilespmem:s9], [sflag:$0x6] =	stream.indirect.gather [hbm4b:s3+s24], $0x80, s31, s24, $0xb8;
	[tilespmem:$0x18300] =	vst v63  }
0x70: {  	_ =	swait.ge [sflag:s29], $0x4000  }
0x71: {  	[sflag:s29] =	ssyncset.done $0x0  }
0x72: {  	s0 =	rddreg [dreg:$0x7];
	[sflag:s29] =	ssyncadd.s32 $0xFFFFC000  }
0x73: {  	[hbm4b:s0+s2] =	stream.linear.scatter [tilespmem:s21], [sflag:$0x7], $0x4000, $0x38;
	[tilespmem:$0x18300] =	vst v63  }
0x74: {  	_ =	swait.ge [sflag:s26], $0x4000  }
0x75: {  	[sflag:s26] =	ssyncset.done $0x0  }
0x76: {  	s0 =	rddreg [dreg:$0x8];
	[sflag:s26] =	ssyncadd.s32 $0xFFFFC000  }
0x77: {  	[hbm4b:s0+s2] =	stream.linear.scatter [tilespmem:s19], [sflag:$0x8], $0x4000, $0x38;
	[tilespmem:$0x18300] =	vst v63  }
0x78: {  	_ =	swait.ge [sflag:s22], $0x4000  }
0x79: {  	[sflag:s22] =	ssyncset.done $0x0  }
0x7a: {  	s0 =	rddreg [dreg:$0x9];
	[sflag:s22] =	ssyncadd.s32 $0xFFFFC000  }
0x7b: {  	[hbm4b:s0+s2] =	stream.linear.scatter [tilespmem:s17], [sflag:$0x9], $0x4000, $0x38;
	[tilespmem:$0x18300] =	vst v63  }
0x7c: {  	_ =	swait.ge [sflag:s20], $0x4000  }
0x7d: {  	[sflag:s20] =	ssyncset.done $0x0  }
0x7e: {  	s0 =	rddreg [dreg:$0xa];
	[sflag:s20] =	ssyncadd.s32 $0xFFFFC000  }
0x7f: {  	[hbm4b:s0+s2] =	stream.linear.scatter [tilespmem:s13], [sflag:$0xA], $0x4000, $0x38;
	[tilespmem:$0x18300] =	vst v63  }
0x80: {  	_ =	swait.ge [sflag:s18], $0x4000  }
0x81: {  	[sflag:s18] =	ssyncset.done $0x0  }
0x82: {  	[sflag:s18] =	ssyncadd.s32 $0xFFFFC000  }
0x83: {  	[hbm4b:s6+s2] =	stream.linear.scatter [tilespmem:s11], [sflag:$0xB], $0x4000, $0x38;
	[tilespmem:$0x18300] =	vst v63  }
0x84: {  	_ =	swait.ge [sflag:s15], $0x4000  }
0x85: {  	[sflag:s15] =	ssyncset.done $0x0  }
0x86: {  	[sflag:s15] =	ssyncadd.s32 $0xFFFFC000  }
0x87: {  	[hbm4b:s4+s2] =	stream.linear.scatter [tilespmem:s9], [sflag:$0xC], $0x4000, $0x38;
	[tilespmem:$0x18300] =	vst v63  }
0x88: {  	_ =	swait.ge [sflag:s16], $0x4000  }
0x89: {  	[sflag:s16] =	ssyncset.done $0x0  }
0x8a: {  	[sflag:s16] =	ssyncadd.s32 $0xFFFFC000  }
0x8b: {  	_ =	swait.ge [sflag:s14], $0x4000  }
0x8c: {  	[sflag:s14] =	ssyncset.done $0x0  }
0x8d: {  	[sflag:s14] =	ssyncadd.s32 $0xFFFFC000  }
0x8e: {  	_ =	swait.ge [sflag:s12], $0x4000  }
0x8f: {  	[sflag:s12] =	ssyncset.done $0x0  }
0x90: {  	[sflag:s12] =	ssyncadd.s32 $0xFFFFC000  }
0x91: {  	_ =	swait.ge [sflag:s10], $0x4000  }
0x92: {  	[sflag:s10] =	ssyncset.done $0x0  }
0x93: {  	p1 =	sne.s32 s1, $0x1;
	[sflag:s10] =	ssyncadd.s32 $0xFFFFC000  }
.Ltmp2:
0x94: {  	_ =	swait.ge [sflag:s8], $0x4000;
	(pc) =	sbr.rel @p1 .LBB2_2-.Ltmp2, $4  }
0x95: {  	[sflag:s8] =	ssyncset.done $0x0  }
0x96: {  	[sflag:s8] =	ssyncadd.s32 $0xFFFFC000  }
0x97: {  	_ =	swait.ge [sflag:s7], $0x4000  }
0x98: {  	s1 =	sadd.s32 $0xFFFFFFFF, s1;
	s0 =	rddreg [dreg:$0x4];
	[sflag:s7] =	ssyncset.done $0x0  }
.LBB2_3:
0x99: {  	[sflag:s7] =	ssyncadd.s32 @p0 $0xFFFFC000  }
0x9a: {  	[tilespmem:s2], [sflag:$0xD] =	stream.linear.gather [hbm4b:s0+s2], $0x100, $0x38;
	[tilespmem:$0x18300] =	vst v63  }
0x9b: {  	_ =	swait.ge [sflag:s28], $0x100  }
0x9c: {  	[sflag:s28] =	ssyncset.done $0x0  }
0x9d: {  	s1 =	rddreg [dreg:$0x5];
	[sflag:s28] =	ssyncadd.s32 $0xFFFFFF00  }
0x9e: {  	[tilespmem:s25], [sflag:$0xD] =	stream.linear.gather [hbm4b:s1+s2], $0x100, $0x38;
	[tilespmem:$0x18300] =	vst v63  }
0x9f: {  	_ =	swait.ge [sflag:s28], $0x100  }
0xa0: {  	[sflag:s28] =	ssyncset.done $0x0  }
0xa1: {  	s1 =	rddreg [dreg:$0x6];
	[sflag:s28] =	ssyncadd.s32 $0xFFFFFF00  }
0xa2: {  	[tilespmem:s23], [sflag:$0xD] =	stream.linear.gather [hbm4b:s1+s2], $0x100, $0x38;
	[tilespmem:$0x18300] =	vst v63  }
0xa3: {  	_ =	swait.ge [sflag:s28], $0x100  }
0xa4: {  	[sflag:s28] =	ssyncset.done $0x0  }
0xa5: {  	[sflag:s28] =	ssyncadd.s32 $0xFFFFFF00  }
0xa6: {  	[tilespmem:s21], [sflag:$0x1] =	stream.indirect.gather [hbm4b:s3+s24], $0x80, s2, s24, $0xb8;
	[tilespmem:$0x18300] =	vst v63  }
0xa7: {  	_ = 	snop  }
0xa8: {  	[tilespmem:s19], [sflag:$0x2] =	stream.indirect.gather [hbm4b:s3+s24], $0x80, s24, s24, $0xb8;
	[tilespmem:$0x18300] =	vst v63  }
0xa9: {  	_ = 	snop  }
0xaa: {  	[tilespmem:s17], [sflag:$0x3] =	stream.indirect.gather [hbm4b:s5+s24], $0x80, s25, s24, $0xb8;
	[tilespmem:$0x18300] =	vst v63  }
0xab: {  	_ = 	snop  }
0xac: {  	[tilespmem:s13], [sflag:$0x4] =	stream.indirect.gather [hbm4b:s5+s24], $0x80, s30, s24, $0xb8;
	[tilespmem:$0x18300] =	vst v63  }
0xad: {  	_ = 	snop  }
0xae: {  	[tilespmem:s11], [sflag:$0x5] =	stream.indirect.gather [hbm4b:s3+s24], $0x80, s23, s24, $0xb8;
	[tilespmem:$0x18300] =	vst v63  }
0xaf: {  	_ = 	snop  }
0xb0: {  	[tilespmem:s9], [sflag:$0x6] =	stream.indirect.gather [hbm4b:s3+s24], $0x80, s31, s24, $0xb8;
	[tilespmem:$0x18300] =	vst v63  }
0xb1: {  	_ =	swait.ge [sflag:s29], $0x4000  }
0xb2: {  	[sflag:s29] =	ssyncset.done $0x0  }
0xb3: {  	s25 =	rddreg [dreg:$0x7];
	[sflag:s29] =	ssyncadd.s32 $0xFFFFC000  }
0xb4: {  	[hbm4b:s25+s2] =	stream.linear.scatter [tilespmem:s21], [sflag:$0x7], $0x4000, $0x38;
	[tilespmem:$0x18300] =	vst v63  }
0xb5: {  	_ =	swait.ge [sflag:s26], $0x4000  }
0xb6: {  	[sflag:s26] =	ssyncset.done $0x0  }
0xb7: {  	s28 =	rddreg [dreg:$0x8];
	[sflag:s26] =	ssyncadd.s32 $0xFFFFC000  }
0xb8: {  	[hbm4b:s28+s2] =	stream.linear.scatter [tilespmem:s19], [sflag:$0x8], $0x4000, $0x38;
	[tilespmem:$0x18300] =	vst v63  }
0xb9: {  	_ =	swait.ge [sflag:s22], $0x4000  }
0xba: {  	[sflag:s22] =	ssyncset.done $0x0  }
0xbb: {  	s29 =	rddreg [dreg:$0x9];
	[sflag:s22] =	ssyncadd.s32 $0xFFFFC000  }
0xbc: {  	[hbm4b:s29+s2] =	stream.linear.scatter [tilespmem:s17], [sflag:$0x9], $0x4000, $0x38;
	[tilespmem:$0x18300] =	vst v63  }
0xbd: {  	_ =	swait.ge [sflag:s20], $0x4000  }
0xbe: {  	[sflag:s20] =	ssyncset.done $0x0  }
0xbf: {  	s30 =	rddreg [dreg:$0xa];
	[sflag:s20] =	ssyncadd.s32 $0xFFFFC000  }
0xc0: {  	[hbm4b:s30+s2] =	stream.linear.scatter [tilespmem:s13], [sflag:$0xA], $0x4000, $0x38;
	[tilespmem:$0x18300] =	vst v63  }
0xc1: {  	_ =	swait.ge [sflag:s18], $0x4000  }
0xc2: {  	[sflag:s18] =	ssyncset.done $0x0  }
0xc3: {  	[sflag:s18] =	ssyncadd.s32 $0xFFFFC000  }
0xc4: {  	[hbm4b:s6+s2] =	stream.linear.scatter [tilespmem:s11], [sflag:$0xB], $0x4000, $0x38;
	[tilespmem:$0x18300] =	vst v63  }
0xc5: {  	_ =	swait.ge [sflag:s15], $0x4000  }
0xc6: {  	[sflag:s15] =	ssyncset.done $0x0  }
0xc7: {  	[sflag:s15] =	ssyncadd.s32 $0xFFFFC000  }
0xc8: {  	[hbm4b:s4+s2] =	stream.linear.scatter [tilespmem:s9], [sflag:$0xC], $0x4000, $0x38;
	[tilespmem:$0x18300] =	vst v63  }
0xc9: {  	_ =	swait.ge [sflag:s16], $0x4000  }
0xca: {  	[sflag:s16] =	ssyncset.done $0x0  }
0xcb: {  	[sflag:s16] =	ssyncadd.s32 $0xFFFFC000  }
0xcc: {  	_ =	swait.ge [sflag:s14], $0x4000  }
0xcd: {  	[sflag:s14] =	ssyncset.done $0x0  }
0xce: {  	[sflag:s14] =	ssyncadd.s32 $0xFFFFC000  }
0xcf: {  	_ =	swait.ge [sflag:s12], $0x4000  }
0xd0: {  	[sflag:s12] =	ssyncset.done $0x0  }
0xd1: {  	[sflag:s12] =	ssyncadd.s32 $0xFFFFC000  }
0xd2: {  	_ =	swait.ge [sflag:s10], $0x4000  }
0xd3: {  	[sflag:s10] =	ssyncset.done $0x0  }
0xd4: {  	[sflag:s10] =	ssyncadd.s32 $0xFFFFC000  }
0xd5: {  	_ =	swait.ge [sflag:s8], $0x4000  }
0xd6: {  	[sflag:s8] =	ssyncset.done $0x0  }
0xd7: {  	[sflag:s8] =	ssyncadd.s32 $0xFFFFC000  }
0xd8: {  	_ =	swait.ge [sflag:s7], $0x4000  }
0xd9: {  	[sflag:s7] =	ssyncset.done $0x0  }
0xda: {  	[sflag:s7] =	ssyncadd.s32 $0xFFFFC000  }
0xdb: {  	_ =	sfence.sel $0x180000  }
0xdc: {  	[bflag:$0x0] =	sbarrier.arrive $0xFFFF  }
0xdd: {  	_ =	strace $0x9000004A  }
0xde: {  	s31 =	stileid.u32;
	[bflag:$0x2] =	sbarrier.arrive $0xFFFF  }
0xdf: {  	p0 =	sne.s32 s31, $0x0;
	s0 =	rddreg [dreg:$0x3]  }
0xe0: {  	s0 =	sadd.s32 @!p0 $0x100000, s0  }
0xe1: {  	[sflag:s0] =	ssyncadd.tile.s32 @!p0 $0x1;
	_ =	shalt  }
.Lfunc_end2:
_tile_overlayer_lowered:
.L_overlay_start_2:
0xe2: {  	(tag) =	ssettag $0x2  }
0xe3: {  	s0 =	rddreg [dreg:$0x0];
	s2 =	stileid.u32  }
0xe4: {  	s1 =	rddreg [dreg:$0x1];
	p0 =	sne.s32 s2, $0x0  }
0xe5: {  	s3 =	rddreg [dreg:$0x2];
	[bflag:$0x3] =	sbarrier.arrive $0xFFFF;
	s2 =	simm.s32 @!p0 $0x1C0D  }
0xe6: {  	[timem:s3], [sflag:s2] =	dma.local @!p0 [hbm:s0], s1  }
0xe7: {  	s0 =	simm.s32 @!p0 $0xD  }
0xe8: {  	_ =	swait.ge @!p0 [sflag:s0], s1  }
0xe9: {  	s1 =	ssub.s32 @!p0 $0x0, s1;
	[sflag:s0] =	ssyncset.done @!p0 $0x0  }
0xea: {  	[sflag:s0] =	ssyncadd.s32 @!p0 s1  }
0xeb: {  	[bflag:$0x3] =	sbarrier.arrive $0xFFFF  }
0xec: {  	_ =	shalt  }

</sc_bundles>
